<compile_context>
chip_gen: v7x
topology: tpu7x:2x2x1
jax: 0.10.2.dev20260603
libtpu: 0.0.44.dev20260713+nightly
codegen_flags: <defaults>
</compile_context>

<pallas_src>
import functools

import jax
import jax.numpy as jnp
from jax import lax
from jax.experimental import pallas as pl
from jax.experimental.pallas import tpu as pltpu
from jax.experimental.pallas import tpu_sc as plsc

V = 1000000
D = 20
B = 16384
BF = 2 * B
NSLOT = 5 * BF
NLIST = 6 * BF

_info = plsc.get_sparse_core_info()
_NC, _NS = _info.num_cores, _info.num_subcores
_NW = _NC * _NS
_ROWS_W = BF // _NW
_NDMA = 8
_ROWS_D = _ROWS_W // _NDMA
_SLOT_D = 5 * _ROWS_D
_LIST_D = 6 * _ROWS_D
_LIVE = 4
_ROUNDS = _NDMA // _LIVE


def _make_gather():
    mesh = plsc.VectorSubcoreMesh(core_axis_name="c", subcore_axis_name="s")

    scratch = [pltpu.VMEM((_LIST_D,), jnp.int32) for _ in range(_LIVE)]
    scratch += [pltpu.VMEM((256,), jnp.int32)]
    scratch += [pltpu.VMEM((_LIST_D, D), jnp.float32) for _ in range(_LIVE)]
    scratch += [pltpu.SemaphoreType.DMA]

    @functools.partial(
        pl.kernel,
        mesh=mesh,
        compiler_params=pltpu.CompilerParams(use_tc_tiling_on_sc=False),
        out_type=jax.ShapeDtypeStruct((NSLOT, D), jnp.float32),
        scratch_types=scratch,
    )
    def gather_k(table_hbm, idx_hbm, out_hbm, *refs):
        idx_refs = refs[:_LIVE]
        guard = refs[_LIVE]
        row_refs = refs[_LIVE + 1:_LIVE + 1 + _LIVE]
        sem = refs[2 * _LIVE + 1]
        zeros16 = jnp.zeros((16,), jnp.int32)
        for g_ in range(16):
            guard[pl.ds(16 * g_, 16)] = zeros16
        wid = lax.axis_index("s") * _NC + lax.axis_index("c")
        lbase = wid * _NDMA * _LIST_D
        obase = wid * _NDMA * _SLOT_D
        for r_ in range(_ROUNDS):
            for d_ in range(_LIVE):
                k_ = r_ * _LIVE + d_
                pltpu.sync_copy(
                    idx_hbm.at[pl.ds(lbase + k_ * _LIST_D, _LIST_D)],
                    idx_refs[d_])
            copies = [
                pltpu.async_copy(table_hbm.at[idx_refs[d_]], row_refs[d_], sem)
                for d_ in range(_LIVE)
            ]
            for c in copies:
                c.wait()
            for d_ in range(_LIVE):
                k_ = r_ * _LIVE + d_
                pltpu.sync_copy(
                    row_refs[d_].at[pl.ds(0, _SLOT_D)],
                    out_hbm.at[pl.ds(obase + k_ * _SLOT_D, _SLOT_D)])

    return gather_k


_gather = _make_gather()

_BLK = 2048


def _mlp_body(strips_ref, jj_ref, wa_ref, wb_ref, b1_ref, w2_ref, b2_ref,
              out_ref):
    strip0 = strips_ref[:, :5 * D]
    strip1 = strips_ref[:, 5 * D:]
    jj = jj_ref[...]
    j0 = jj[:, 0:1]
    j1 = jj[:, 1:2]
    z1 = jnp.broadcast_to(b1_ref[...], (_BLK, D))
    for s in range(5):
        pa = jnp.dot(strip0, wa_ref[s * 5 * D:(s + 1) * 5 * D, :],
                     preferred_element_type=jnp.float32)
        pb = jnp.dot(strip1, wb_ref[s * 5 * D:(s + 1) * 5 * D, :],
                     preferred_element_type=jnp.float32)
        z1 = z1 + jnp.where(j0 == s, pa, 0.0) + jnp.where(j1 == s, pb, 0.0)
    a1 = jax.nn.sigmoid(z1)
    z2 = jnp.sum(a1 * w2_ref[...], axis=1, keepdims=True) + b2_ref[...]
    out_ref[...] = jax.nn.sigmoid(z2)


def kernel(x, embedding, W1, b1, W2, b2):
    v = x.astype(jnp.int32).reshape(-1)
    j = v % 5
    L = (6 * v - j) // 5
    ar = jnp.arange(6, dtype=jnp.int32)[None, :]
    jc = j[:, None]
    entries = jnp.where(ar == jc + 1, L[:, None] + 1, L[:, None])
    idx = entries.reshape(-1)
    jj = j.reshape(B, 2)

    slots = _gather(embedding, idx)
    strips = slots.reshape(B, 10 * D)

    w1t = W1.T
    shifted_a = []
    shifted_b = []
    for s in range(5):
        sa = jnp.zeros((5 * D, D), jnp.float32)
        sa = sa.at[D * s:D * s + D, :].set(w1t[:D])
        sb = jnp.zeros((5 * D, D), jnp.float32)
        sb = sb.at[D * s:D * s + D, :].set(w1t[D:])
        shifted_a.append(sa)
        shifted_b.append(sb)
    wa = jnp.concatenate(shifted_a, axis=0)
    wb = jnp.concatenate(shifted_b, axis=0)

    grid = B // _BLK
    out = pl.pallas_call(
        _mlp_body,
        grid=(grid,),
        in_specs=[
            pl.BlockSpec((_BLK, 10 * D), lambda i: (i, 0)),
            pl.BlockSpec((_BLK, 2), lambda i: (i, 0)),
            pl.BlockSpec((25 * D, D), lambda i: (0, 0)),
            pl.BlockSpec((25 * D, D), lambda i: (0, 0)),
            pl.BlockSpec((1, D), lambda i: (0, 0)),
            pl.BlockSpec((1, D), lambda i: (0, 0)),
            pl.BlockSpec((1, 1), lambda i: (0, 0)),
        ],
        out_specs=pl.BlockSpec((_BLK, 1), lambda i: (i, 0)),
        out_shape=jax.ShapeDtypeStruct((B, 1), jnp.float32),
    )(strips, jj, wa, wb, b1.reshape(1, D), W2.reshape(1, D),
      b2.reshape(1, 1))
    return out

# --- scband reference (transcript-rebuilt; emitter-appended) ---
"""Pipeline reference for scband-language-modeling-66657892434033 (READ-ONLY COPY).

The authoritative reference and input builder live on the scoring server;
editing this copy changes nothing except your own understanding.
"""

import jax, jax.numpy as jnp
import numpy as np

V = 1000000
DIMS = 20
B = 16384

def setup_inputs(seed: int = 0) -> dict:
    key = jax.random.key(seed)
    k_x, k_emb, k_w1, k_b1, k_w2, k_b2 = jax.random.split(key, 6)
    x = jax.random.randint(k_x, (B, 2), 0, V, dtype=jnp.int64) if jax.config.jax_enable_x64 else jax.random.randint(k_x, (B, 2), 0, V, dtype=jnp.int32)
    embedding = jax.random.normal(k_emb, (V, DIMS), dtype=jnp.float32)
    # nn.Linear(2*dims, 20): weight [20, 40], bias [20]
    W1 = jax.random.normal(k_w1, (20, 2 * DIMS), dtype=jnp.float32) * (1.0 / np.sqrt(2 * DIMS))
    b1 = jax.random.normal(k_b1, (20,), dtype=jnp.float32) * (1.0 / np.sqrt(2 * DIMS))
    # nn.Linear(20, 1): weight [1, 20], bias [1]
    W2 = jax.random.normal(k_w2, (1, 20), dtype=jnp.float32) * (1.0 / np.sqrt(20))
    b2 = jax.random.normal(k_b2, (1,), dtype=jnp.float32) * (1.0 / np.sqrt(20))
    return {"x": x, "embedding": embedding, "W1": W1, "b1": b1, "W2": W2, "b2": b2}

def reference(x, embedding, W1, b1, W2, b2):
    proj = jnp.take(embedding, x, axis=0).reshape((-1, 2 * DIMS))
    a1 = jax.nn.sigmoid(proj @ W1.T + b1)
    a2 = jax.nn.sigmoid(a1 @ W2.T + b2)
    return a2

if __name__ == "__main__":
    import jax
    _d = setup_inputs()
    print(jax.jit(kernel)(*tuple(_d.values())))

</pallas_src>

<mosaic_0001>
#map = affine_map<(d0, d1) -> (0, 0)>
#map1 = affine_map<(d0, d1) -> (0)>
module attributes {stable_mosaic.version = 14 : i64} {
  func.func @gather_k(%arg0: i32, %arg1: i32, %arg2: memref<1000000x20xf32, #tpu.memory_space<hbm>>, %arg3: memref<196608xi32, #tpu.memory_space<hbm>>, %arg4: memref<163840x20xf32, #tpu.memory_space<hbm>>, %arg5: memref<768xi32, #tpu.memory_space<vmem>>, %arg6: memref<768xi32, #tpu.memory_space<vmem>>, %arg7: memref<768xi32, #tpu.memory_space<vmem>>, %arg8: memref<768xi32, #tpu.memory_space<vmem>>, %arg9: memref<256xi32, #tpu.memory_space<vmem>>, %arg10: memref<768x20xf32, #tpu.memory_space<vmem>>, %arg11: memref<768x20xf32, #tpu.memory_space<vmem>>, %arg12: memref<768x20xf32, #tpu.memory_space<vmem>>, %arg13: memref<768x20xf32, #tpu.memory_space<vmem>>, %arg14: memref<!tpu.dma_semaphore, #tpu.memory_space<semaphore_mem>>) attributes {dimension_semantics = [#tpu.dimension_semantics<core_parallel>, #tpu.dimension_semantics<subcore_parallel>], iteration_bounds = array<i64: 2, 16>, scalar_prefetch = 0 : i64, scratch_operands = 10 : i64, tpu.core_type = #tpu.core_type<sc_vector_subcore>, window_params = [{transform_indices = #map}, {transform_indices = #map1}, {transform_indices = #map}]} {
    %broadcast_in_dim3A = arith.constant 0 : i32
    %broadcast_in_dim3A_0 = vector.broadcast %broadcast_in_dim3A : i32 to vector<16xi32>
    %swap3A = arith.constant 0 : index
    %swap3A_1 = tpu.vector_load %arg9[%swap3A] {strides = array<i32>} : memref<256xi32, #tpu.memory_space<vmem>>, vector<16xi32>,
    %swap3A_2 = vector.shape_cast %swap3A_1 : vector<16xi32> to vector<16xi32>
    %swap3A_3 = vector.shape_cast %broadcast_in_dim3A_0 : vector<16xi32> to vector<16xi32>
    tpu.vector_store %arg9[%swap3A], %swap3A_3 {strides = array<i32>} : memref<256xi32, #tpu.memory_space<vmem>>, vector<16xi32>,
    %swap3A_4 = arith.constant 16 : index
    %swap3A_5 = tpu.vector_load %arg9[%swap3A_4] {strides = array<i32>} : memref<256xi32, #tpu.memory_space<vmem>>, vector<16xi32>,
    %swap3A_6 = vector.shape_cast %swap3A_5 : vector<16xi32> to vector<16xi32>
    %swap3A_7 = vector.shape_cast %broadcast_in_dim3A_0 : vector<16xi32> to vector<16xi32>
    tpu.vector_store %arg9[%swap3A_4], %swap3A_7 {strides = array<i32>} : memref<256xi32, #tpu.memory_space<vmem>>, vector<16xi32>,
    %swap3A_8 = arith.constant 32 : index
    %swap3A_9 = tpu.vector_load %arg9[%swap3A_8] {strides = array<i32>} : memref<256xi32, #tpu.memory_space<vmem>>, vector<16xi32>,
    %swap3A_10 = vector.shape_cast %swap3A_9 : vector<16xi32> to vector<16xi32>
    %swap3A_11 = vector.shape_cast %broadcast_in_dim3A_0 : vector<16xi32> to vector<16xi32>
    tpu.vector_store %arg9[%swap3A_8], %swap3A_11 {strides = array<i32>} : memref<256xi32, #tpu.memory_space<vmem>>, vector<16xi32>,
    %swap3A_12 = arith.constant 48 : index
    %swap3A_13 = tpu.vector_load %arg9[%swap3A_12] {strides = array<i32>} : memref<256xi32, #tpu.memory_space<vmem>>, vector<16xi32>,
    %swap3A_14 = vector.shape_cast %swap3A_13 : vector<16xi32> to vector<16xi32>
    %swap3A_15 = vector.shape_cast %broadcast_in_dim3A_0 : vector<16xi32> to vector<16xi32>
    tpu.vector_store %arg9[%swap3A_12], %swap3A_15 {strides = array<i32>} : memref<256xi32, #tpu.memory_space<vmem>>, vector<16xi32>,
    %swap3A_16 = arith.constant 64 : index
    %swap3A_17 = tpu.vector_load %arg9[%swap3A_16] {strides = array<i32>} : memref<256xi32, #tpu.memory_space<vmem>>, vector<16xi32>,
    %swap3A_18 = vector.shape_cast %swap3A_17 : vector<16xi32> to vector<16xi32>
    %swap3A_19 = vector.shape_cast %broadcast_in_dim3A_0 : vector<16xi32> to vector<16xi32>
    tpu.vector_store %arg9[%swap3A_16], %swap3A_19 {strides = array<i32>} : memref<256xi32, #tpu.memory_space<vmem>>, vector<16xi32>,
    %swap3A_20 = arith.constant 80 : index
    %swap3A_21 = tpu.vector_load %arg9[%swap3A_20] {strides = array<i32>} : memref<256xi32, #tpu.memory_space<vmem>>, vector<16xi32>,
    %swap3A_22 = vector.shape_cast %swap3A_21 : vector<16xi32> to vector<16xi32>
    %swap3A_23 = vector.shape_cast %broadcast_in_dim3A_0 : vector<16xi32> to vector<16xi32>
    tpu.vector_store %arg9[%swap3A_20], %swap3A_23 {strides = array<i32>} : memref<256xi32, #tpu.memory_space<vmem>>, vector<16xi32>,
    %swap3A_24 = arith.constant 96 : index
    %swap3A_25 = tpu.vector_load %arg9[%swap3A_24] {strides = array<i32>} : memref<256xi32, #tpu.memory_space<vmem>>, vector<16xi32>,
    %swap3A_26 = vector.shape_cast %swap3A_25 : vector<16xi32> to vector<16xi32>
    %swap3A_27 = vector.shape_cast %broadcast_in_dim3A_0 : vector<16xi32> to vector<16xi32>
    tpu.vector_store %arg9[%swap3A_24], %swap3A_27 {strides = array<i32>} : memref<256xi32, #tpu.memory_space<vmem>>, vector<16xi32>,
    %swap3A_28 = arith.constant 112 : index
    %swap3A_29 = tpu.vector_load %arg9[%swap3A_28] {strides = array<i32>} : memref<256xi32, #tpu.memory_space<vmem>>, vector<16xi32>,
    %swap3A_30 = vector.shape_cast %swap3A_29 : vector<16xi32> to vector<16xi32>
    %swap3A_31 = vector.shape_cast %broadcast_in_dim3A_0 : vector<16xi32> to vector<16xi32>
    tpu.vector_store %arg9[%swap3A_28], %swap3A_31 {strides = array<i32>} : memref<256xi32, #tpu.memory_space<vmem>>, vector<16xi32>,
    %swap3A_32 = arith.constant 128 : index
    %swap3A_33 = tpu.vector_load %arg9[%swap3A_32] {strides = array<i32>} : memref<256xi32, #tpu.memory_space<vmem>>, vector<16xi32>,
    %swap3A_34 = vector.shape_cast %swap3A_33 : vector<16xi32> to vector<16xi32>
    %swap3A_35 = vector.shape_cast %broadcast_in_dim3A_0 : vector<16xi32> to vector<16xi32>
    tpu.vector_store %arg9[%swap3A_32], %swap3A_35 {strides = array<i32>} : memref<256xi32, #tpu.memory_space<vmem>>, vector<16xi32>,
    %swap3A_36 = arith.constant 144 : index
    %swap3A_37 = tpu.vector_load %arg9[%swap3A_36] {strides = array<i32>} : memref<256xi32, #tpu.memory_space<vmem>>, vector<16xi32>,
    %swap3A_38 = vector.shape_cast %swap3A_37 : vector<16xi32> to vector<16xi32>
    %swap3A_39 = vector.shape_cast %broadcast_in_dim3A_0 : vector<16xi32> to vector<16xi32>
    tpu.vector_store %arg9[%swap3A_36], %swap3A_39 {strides = array<i32>} : memref<256xi32, #tpu.memory_space<vmem>>, vector<16xi32>,
    %swap3A_40 = arith.constant 160 : index
    %swap3A_41 = tpu.vector_load %arg9[%swap3A_40] {strides = array<i32>} : memref<256xi32, #tpu.memory_space<vmem>>, vector<16xi32>,
    %swap3A_42 = vector.shape_cast %swap3A_41 : vector<16xi32> to vector<16xi32>
    %swap3A_43 = vector.shape_cast %broadcast_in_dim3A_0 : vector<16xi32> to vector<16xi32>
    tpu.vector_store %arg9[%swap3A_40], %swap3A_43 {strides = array<i32>} : memref<256xi32, #tpu.memory_space<vmem>>, vector<16xi32>,
    %swap3A_44 = arith.constant 176 : index
    %swap3A_45 = tpu.vector_load %arg9[%swap3A_44] {strides = array<i32>} : memref<256xi32, #tpu.memory_space<vmem>>, vector<16xi32>,
    %swap3A_46 = vector.shape_cast %swap3A_45 : vector<16xi32> to vector<16xi32>
    %swap3A_47 = vector.shape_cast %broadcast_in_dim3A_0 : vector<16xi32> to vector<16xi32>
    tpu.vector_store %arg9[%swap3A_44], %swap3A_47 {strides = array<i32>} : memref<256xi32, #tpu.memory_space<vmem>>, vector<16xi32>,
    %swap3A_48 = arith.constant 192 : index
    %swap3A_49 = tpu.vector_load %arg9[%swap3A_48] {strides = array<i32>} : memref<256xi32, #tpu.memory_space<vmem>>, vector<16xi32>,
    %swap3A_50 = vector.shape_cast %swap3A_49 : vector<16xi32> to vector<16xi32>
    %swap3A_51 = vector.shape_cast %broadcast_in_dim3A_0 : vector<16xi32> to vector<16xi32>
    tpu.vector_store %arg9[%swap3A_48], %swap3A_51 {strides = array<i32>} : memref<256xi32, #tpu.memory_space<vmem>>, vector<16xi32>,
    %swap3A_52 = arith.constant 208 : index
    %swap3A_53 = tpu.vector_load %arg9[%swap3A_52] {strides = array<i32>} : memref<256xi32, #tpu.memory_space<vmem>>, vector<16xi32>,
    %swap3A_54 = vector.shape_cast %swap3A_53 : vector<16xi32> to vector<16xi32>
    %swap3A_55 = vector.shape_cast %broadcast_in_dim3A_0 : vector<16xi32> to vector<16xi32>
    tpu.vector_store %arg9[%swap3A_52], %swap3A_55 {strides = array<i32>} : memref<256xi32, #tpu.memory_space<vmem>>, vector<16xi32>,
    %swap3A_56 = arith.constant 224 : index
    %swap3A_57 = tpu.vector_load %arg9[%swap3A_56] {strides = array<i32>} : memref<256xi32, #tpu.memory_space<vmem>>, vector<16xi32>,
    %swap3A_58 = vector.shape_cast %swap3A_57 : vector<16xi32> to vector<16xi32>
    %swap3A_59 = vector.shape_cast %broadcast_in_dim3A_0 : vector<16xi32> to vector<16xi32>
    tpu.vector_store %arg9[%swap3A_56], %swap3A_59 {strides = array<i32>} : memref<256xi32, #tpu.memory_space<vmem>>, vector<16xi32>,
    %swap3A_60 = arith.constant 240 : index
    %swap3A_61 = tpu.vector_load %arg9[%swap3A_60] {strides = array<i32>} : memref<256xi32, #tpu.memory_space<vmem>>, vector<16xi32>,
    %swap3A_62 = vector.shape_cast %swap3A_61 : vector<16xi32> to vector<16xi32>
    %swap3A_63 = vector.shape_cast %broadcast_in_dim3A_0 : vector<16xi32> to vector<16xi32>
    tpu.vector_store %arg9[%swap3A_60], %swap3A_63 {strides = array<i32>} : memref<256xi32, #tpu.memory_space<vmem>>, vector<16xi32>,
    %mul3A = arith.constant 2 : i32
    %mul3A_64 = arith.muli %arg1, %mul3A : i32
    %add3A = arith.addi %mul3A_64, %arg0 : i32
    %mul3A_65 = arith.constant 8 : i32
    %mul3A_66 = arith.muli %add3A, %mul3A_65 : i32
    %mul3A_67 = arith.constant 768 : i32
    %mul3A_68 = arith.muli %mul3A_66, %mul3A_67 : i32
    %mul3A_69 = arith.constant 8 : i32
    %mul3A_70 = arith.muli %add3A, %mul3A_69 : i32
    %mul3A_71 = arith.constant 640 : i32
    %mul3A_72 = arith.muli %mul3A_70, %mul3A_71 : i32
    %add3A_73 = arith.constant 0 : i32
    %add3A_74 = arith.addi %mul3A_68, %add3A_73 : i32
    "tpu.region"() ({
      %run_scoped3A = tpu.sem_alloc : memref<!tpu.dma_semaphore, #tpu.memory_space<semaphore_mem>>
      %dma_start3A_151 = tpu.memref_slice %arg3[%add3A_74] : memref<196608xi32, #tpu.memory_space<hbm>> -> memref<768xi32, #tpu.memory_space<hbm>>
      %dma_start3A_152 = tpu.memref_slice %arg3[%add3A_74] : memref<196608xi32, #tpu.memory_space<hbm>> -> memref<768xi32, #tpu.memory_space<hbm>>
      tpu.enqueue_dma source(%dma_start3A_152 : memref<768xi32, #tpu.memory_space<hbm>>) target(%arg5 : memref<768xi32, #tpu.memory_space<vmem>>) target_semaphore(%run_scoped3A : memref<!tpu.dma_semaphore, #tpu.memory_space<semaphore_mem>>)
      %dma_wait3A_153 = tpu.memref_slice %arg3[%add3A_74] : memref<196608xi32, #tpu.memory_space<hbm>> -> memref<768xi32, #tpu.memory_space<hbm>>
      %dma_wait3A_154 = tpu.memref_slice %arg3[%add3A_74] : memref<196608xi32, #tpu.memory_space<hbm>> -> memref<768xi32, #tpu.memory_space<hbm>>
      tpu.wait_dma2 semaphore(%run_scoped3A : memref<!tpu.dma_semaphore, #tpu.memory_space<semaphore_mem>>) src(%dma_wait3A_154 : memref<768xi32, #tpu.memory_space<hbm>>) dst(%arg5 : memref<768xi32, #tpu.memory_space<vmem>>)
      tpu.yield
    }) : () -> ()
    %add3A_75 = arith.constant 768 : i32
    %add3A_76 = arith.addi %mul3A_68, %add3A_75 : i32
    "tpu.region"() ({
      %run_scoped3A = tpu.sem_alloc : memref<!tpu.dma_semaphore, #tpu.memory_space<semaphore_mem>>
      %dma_start3A_151 = tpu.memref_slice %arg3[%add3A_76] : memref<196608xi32, #tpu.memory_space<hbm>> -> memref<768xi32, #tpu.memory_space<hbm>>
      %dma_start3A_152 = tpu.memref_slice %arg3[%add3A_76] : memref<196608xi32, #tpu.memory_space<hbm>> -> memref<768xi32, #tpu.memory_space<hbm>>
      tpu.enqueue_dma source(%dma_start3A_152 : memref<768xi32, #tpu.memory_space<hbm>>) target(%arg6 : memref<768xi32, #tpu.memory_space<vmem>>) target_semaphore(%run_scoped3A : memref<!tpu.dma_semaphore, #tpu.memory_space<semaphore_mem>>)
      %dma_wait3A_153 = tpu.memref_slice %arg3[%add3A_76] : memref<196608xi32, #tpu.memory_space<hbm>> -> memref<768xi32, #tpu.memory_space<hbm>>
      %dma_wait3A_154 = tpu.memref_slice %arg3[%add3A_76] : memref<196608xi32, #tpu.memory_space<hbm>> -> memref<768xi32, #tpu.memory_space<hbm>>
      tpu.wait_dma2 semaphore(%run_scoped3A : memref<!tpu.dma_semaphore, #tpu.memory_space<semaphore_mem>>) src(%dma_wait3A_154 : memref<768xi32, #tpu.memory_space<hbm>>) dst(%arg6 : memref<768xi32, #tpu.memory_space<vmem>>)
      tpu.yield
    }) : () -> ()
    %add3A_77 = arith.constant 1536 : i32
    %add3A_78 = arith.addi %mul3A_68, %add3A_77 : i32
    "tpu.region"() ({
      %run_scoped3A = tpu.sem_alloc : memref<!tpu.dma_semaphore, #tpu.memory_space<semaphore_mem>>
      %dma_start3A_151 = tpu.memref_slice %arg3[%add3A_78] : memref<196608xi32, #tpu.memory_space<hbm>> -> memref<768xi32, #tpu.memory_space<hbm>>
      %dma_start3A_152 = tpu.memref_slice %arg3[%add3A_78] : memref<196608xi32, #tpu.memory_space<hbm>> -> memref<768xi32, #tpu.memory_space<hbm>>
      tpu.enqueue_dma source(%dma_start3A_152 : memref<768xi32, #tpu.memory_space<hbm>>) target(%arg7 : memref<768xi32, #tpu.memory_space<vmem>>) target_semaphore(%run_scoped3A : memref<!tpu.dma_semaphore, #tpu.memory_space<semaphore_mem>>)
      %dma_wait3A_153 = tpu.memref_slice %arg3[%add3A_78] : memref<196608xi32, #tpu.memory_space<hbm>> -> memref<768xi32, #tpu.memory_space<hbm>>
      %dma_wait3A_154 = tpu.memref_slice %arg3[%add3A_78] : memref<196608xi32, #tpu.memory_space<hbm>> -> memref<768xi32, #tpu.memory_space<hbm>>
      tpu.wait_dma2 semaphore(%run_scoped3A : memref<!tpu.dma_semaphore, #tpu.memory_space<semaphore_mem>>) src(%dma_wait3A_154 : memref<768xi32, #tpu.memory_space<hbm>>) dst(%arg7 : memref<768xi32, #tpu.memory_space<vmem>>)
      tpu.yield
    }) : () -> ()
    %add3A_79 = arith.constant 2304 : i32
    %add3A_80 = arith.addi %mul3A_68, %add3A_79 : i32
    "tpu.region"() ({
      %run_scoped3A = tpu.sem_alloc : memref<!tpu.dma_semaphore, #tpu.memory_space<semaphore_mem>>
      %dma_start3A_151 = tpu.memref_slice %arg3[%add3A_80] : memref<196608xi32, #tpu.memory_space<hbm>> -> memref<768xi32, #tpu.memory_space<hbm>>
      %dma_start3A_152 = tpu.memref_slice %arg3[%add3A_80] : memref<196608xi32, #tpu.memory_space<hbm>> -> memref<768xi32, #tpu.memory_space<hbm>>
      tpu.enqueue_dma source(%dma_start3A_152 : memref<768xi32, #tpu.memory_space<hbm>>) target(%arg8 : memref<768xi32, #tpu.memory_space<vmem>>) target_semaphore(%run_scoped3A : memref<!tpu.dma_semaphore, #tpu.memory_space<semaphore_mem>>)
      %dma_wait3A_153 = tpu.memref_slice %arg3[%add3A_80] : memref<196608xi32, #tpu.memory_space<hbm>> -> memref<768xi32, #tpu.memory_space<hbm>>
      %dma_wait3A_154 = tpu.memref_slice %arg3[%add3A_80] : memref<196608xi32, #tpu.memory_space<hbm>> -> memref<768xi32, #tpu.memory_space<hbm>>
      tpu.wait_dma2 semaphore(%run_scoped3A : memref<!tpu.dma_semaphore, #tpu.memory_space<semaphore_mem>>) src(%dma_wait3A_154 : memref<768xi32, #tpu.memory_space<hbm>>) dst(%arg8 : memref<768xi32, #tpu.memory_space<vmem>>)
      tpu.yield
    }) : () -> ()
    %dma_start3A = arith.constant 0 : i32
    %dma_start3A_81 = arith.constant 0 : i32
    %dma_start3A_82 = tpu.memref_slice %arg2[%dma_start3A, %dma_start3A_81] : memref<1000000x20xf32, #tpu.memory_space<hbm>> -> memref<1000000x20xf32, #tpu.memory_space<hbm>>
    tpu.enqueue_indirect_dma source(%dma_start3A_82 : memref<1000000x20xf32, #tpu.memory_space<hbm>>) target(%arg10 : memref<768x20xf32, #tpu.memory_space<vmem>>) offsets(%arg5 : memref<768xi32, #tpu.memory_space<vmem>>) semaphore(%arg14 : memref<!tpu.dma_semaphore, #tpu.memory_space<semaphore_mem>>)
    %dma_start3A_83 = arith.constant 0 : i32
    %dma_start3A_84 = arith.constant 0 : i32
    %dma_start3A_85 = tpu.memref_slice %arg2[%dma_start3A_83, %dma_start3A_84] : memref<1000000x20xf32, #tpu.memory_space<hbm>> -> memref<1000000x20xf32, #tpu.memory_space<hbm>>
    tpu.enqueue_indirect_dma source(%dma_start3A_85 : memref<1000000x20xf32, #tpu.memory_space<hbm>>) target(%arg11 : memref<768x20xf32, #tpu.memory_space<vmem>>) offsets(%arg6 : memref<768xi32, #tpu.memory_space<vmem>>) semaphore(%arg14 : memref<!tpu.dma_semaphore, #tpu.memory_space<semaphore_mem>>)
    %dma_start3A_86 = arith.constant 0 : i32
    %dma_start3A_87 = arith.constant 0 : i32
    %dma_start3A_88 = tpu.memref_slice %arg2[%dma_start3A_86, %dma_start3A_87] : memref<1000000x20xf32, #tpu.memory_space<hbm>> -> memref<1000000x20xf32, #tpu.memory_space<hbm>>
    tpu.enqueue_indirect_dma source(%dma_start3A_88 : memref<1000000x20xf32, #tpu.memory_space<hbm>>) target(%arg12 : memref<768x20xf32, #tpu.memory_space<vmem>>) offsets(%arg7 : memref<768xi32, #tpu.memory_space<vmem>>) semaphore(%arg14 : memref<!tpu.dma_semaphore, #tpu.memory_space<semaphore_mem>>)
    %dma_start3A_89 = arith.constant 0 : i32
    %dma_start3A_90 = arith.constant 0 : i32
    %dma_start3A_91 = tpu.memref_slice %arg2[%dma_start3A_89, %dma_start3A_90] : memref<1000000x20xf32, #tpu.memory_space<hbm>> -> memref<1000000x20xf32, #tpu.memory_space<hbm>>
    tpu.enqueue_indirect_dma source(%dma_start3A_91 : memref<1000000x20xf32, #tpu.memory_space<hbm>>) target(%arg13 : memref<768x20xf32, #tpu.memory_space<vmem>>) offsets(%arg8 : memref<768xi32, #tpu.memory_space<vmem>>) semaphore(%arg14 : memref<!tpu.dma_semaphore, #tpu.memory_space<semaphore_mem>>)
    %dma_wait3A = arith.constant 0 : i32
    %dma_wait3A_92 = arith.constant 0 : i32
    %dma_wait3A_93 = tpu.memref_slice %arg2[%dma_wait3A, %dma_wait3A_92] : memref<1000000x20xf32, #tpu.memory_space<hbm>> -> memref<1000000x20xf32, #tpu.memory_space<hbm>>
    tpu.wait_indirect_dma semaphore(%arg14 : memref<!tpu.dma_semaphore, #tpu.memory_space<semaphore_mem>>) src(%dma_wait3A_93 : memref<1000000x20xf32, #tpu.memory_space<hbm>>) dst(%arg10 : memref<768x20xf32, #tpu.memory_space<vmem>>)
    %dma_wait3A_94 = arith.constant 0 : i32
    %dma_wait3A_95 = arith.constant 0 : i32
    %dma_wait3A_96 = tpu.memref_slice %arg2[%dma_wait3A_94, %dma_wait3A_95] : memref<1000000x20xf32, #tpu.memory_space<hbm>> -> memref<1000000x20xf32, #tpu.memory_space<hbm>>
    tpu.wait_indirect_dma semaphore(%arg14 : memref<!tpu.dma_semaphore, #tpu.memory_space<semaphore_mem>>) src(%dma_wait3A_96 : memref<1000000x20xf32, #tpu.memory_space<hbm>>) dst(%arg11 : memref<768x20xf32, #tpu.memory_space<vmem>>)
    %dma_wait3A_97 = arith.constant 0 : i32
    %dma_wait3A_98 = arith.constant 0 : i32
    %dma_wait3A_99 = tpu.memref_slice %arg2[%dma_wait3A_97, %dma_wait3A_98] : memref<1000000x20xf32, #tpu.memory_space<hbm>> -> memref<1000000x20xf32, #tpu.memory_space<hbm>>
    tpu.wait_indirect_dma semaphore(%arg14 : memref<!tpu.dma_semaphore, #tpu.memory_space<semaphore_mem>>) src(%dma_wait3A_99 : memref<1000000x20xf32, #tpu.memory_space<hbm>>) dst(%arg12 : memref<768x20xf32, #tpu.memory_space<vmem>>)
    %dma_wait3A_100 = arith.constant 0 : i32
    %dma_wait3A_101 = arith.constant 0 : i32
    %dma_wait3A_102 = tpu.memref_slice %arg2[%dma_wait3A_100, %dma_wait3A_101] : memref<1000000x20xf32, #tpu.memory_space<hbm>> -> memref<1000000x20xf32, #tpu.memory_space<hbm>>
    tpu.wait_indirect_dma semaphore(%arg14 : memref<!tpu.dma_semaphore, #tpu.memory_space<semaphore_mem>>) src(%dma_wait3A_102 : memref<1000000x20xf32, #tpu.memory_space<hbm>>) dst(%arg13 : memref<768x20xf32, #tpu.memory_space<vmem>>)
    %add3A_103 = arith.constant 0 : i32
    %add3A_104 = arith.addi %mul3A_72, %add3A_103 : i32
    "tpu.region"() ({
      %run_scoped3A = tpu.sem_alloc : memref<!tpu.dma_semaphore, #tpu.memory_space<semaphore_mem>>
      %dma_start3A_151 = arith.constant 0 : i32
      %dma_start3A_152 = arith.constant 0 : i32
      %dma_start3A_153 = tpu.memref_slice %arg10[%dma_start3A_151, %dma_start3A_152] : memref<768x20xf32, #tpu.memory_space<vmem>> -> memref<640x20xf32, #tpu.memory_space<vmem>>
      %dma_start3A_154 = arith.constant 0 : i32
      %dma_start3A_155 = tpu.memref_slice %arg4[%add3A_104, %dma_start3A_154] : memref<163840x20xf32, #tpu.memory_space<hbm>> -> memref<640x20xf32, #tpu.memory_space<hbm>>
      %dma_start3A_156 = arith.constant 0 : i32
      %dma_start3A_157 = tpu.memref_slice %arg4[%add3A_104, %dma_start3A_156] : memref<163840x20xf32, #tpu.memory_space<hbm>> -> memref<640x20xf32, #tpu.memory_space<hbm>>
      %dma_start3A_158 = arith.constant 0 : i32
      %dma_start3A_159 = arith.constant 0 : i32
      %dma_start3A_160 = tpu.memref_slice %arg10[%dma_start3A_158, %dma_start3A_159] : memref<768x20xf32, #tpu.memory_space<vmem>> -> memref<640x20xf32, #tpu.memory_space<vmem>>
      tpu.enqueue_dma source(%dma_start3A_160 : memref<640x20xf32, #tpu.memory_space<vmem>>) target(%dma_start3A_157 : memref<640x20xf32, #tpu.memory_space<hbm>>) target_semaphore(%run_scoped3A : memref<!tpu.dma_semaphore, #tpu.memory_space<semaphore_mem>>)
      %dma_wait3A_161 = arith.constant 0 : i32
      %dma_wait3A_162 = arith.constant 0 : i32
      %dma_wait3A_163 = tpu.memref_slice %arg10[%dma_wait3A_161, %dma_wait3A_162] : memref<768x20xf32, #tpu.memory_space<vmem>> -> memref<640x20xf32, #tpu.memory_space<vmem>>
      %dma_wait3A_164 = arith.constant 0 : i32
      %dma_wait3A_165 = tpu.memref_slice %arg4[%add3A_104, %dma_wait3A_164] : memref<163840x20xf32, #tpu.memory_space<hbm>> -> memref<640x20xf32, #tpu.memory_space<hbm>>
      %dma_wait3A_166 = arith.constant 0 : i32
      %dma_wait3A_167 = tpu.memref_slice %arg4[%add3A_104, %dma_wait3A_166] : memref<163840x20xf32, #tpu.memory_space<hbm>> -> memref<640x20xf32, #tpu.memory_space<hbm>>
      %dma_wait3A_168 = arith.constant 0 : i32
      %dma_wait3A_169 = arith.constant 0 : i32
      %dma_wait3A_170 = tpu.memref_slice %arg10[%dma_wait3A_168, %dma_wait3A_169] : memref<768x20xf32, #tpu.memory_space<vmem>> -> memref<640x20xf32, #tpu.memory_space<vmem>>
      tpu.wait_dma2 semaphore(%run_scoped3A : memref<!tpu.dma_semaphore, #tpu.memory_space<semaphore_mem>>) src(%dma_wait3A_170 : memref<640x20xf32, #tpu.memory_space<vmem>>) dst(%dma_wait3A_167 : memref<640x20xf32, #tpu.memory_space<hbm>>)
      tpu.yield
    }) : () -> ()
    %add3A_105 = arith.constant 640 : i32
    %add3A_106 = arith.addi %mul3A_72, %add3A_105 : i32
    "tpu.region"() ({
      %run_scoped3A = tpu.sem_alloc : memref<!tpu.dma_semaphore, #tpu.memory_space<semaphore_mem>>
      %dma_start3A_151 = arith.constant 0 : i32
      %dma_start3A_152 = arith.constant 0 : i32
      %dma_start3A_153 = tpu.memref_slice %arg11[%dma_start3A_151, %dma_start3A_152] : memref<768x20xf32, #tpu.memory_space<vmem>> -> memref<640x20xf32, #tpu.memory_space<vmem>>
      %dma_start3A_154 = arith.constant 0 : i32
      %dma_start3A_155 = tpu.memref_slice %arg4[%add3A_106, %dma_start3A_154] : memref<163840x20xf32, #tpu.memory_space<hbm>> -> memref<640x20xf32, #tpu.memory_space<hbm>>
      %dma_start3A_156 = arith.constant 0 : i32
      %dma_start3A_157 = tpu.memref_slice %arg4[%add3A_106, %dma_start3A_156] : memref<163840x20xf32, #tpu.memory_space<hbm>> -> memref<640x20xf32, #tpu.memory_space<hbm>>
      %dma_start3A_158 = arith.constant 0 : i32
      %dma_start3A_159 = arith.constant 0 : i32
      %dma_start3A_160 = tpu.memref_slice %arg11[%dma_start3A_158, %dma_start3A_159] : memref<768x20xf32, #tpu.memory_space<vmem>> -> memref<640x20xf32, #tpu.memory_space<vmem>>
      tpu.enqueue_dma source(%dma_start3A_160 : memref<640x20xf32, #tpu.memory_space<vmem>>) target(%dma_start3A_157 : memref<640x20xf32, #tpu.memory_space<hbm>>) target_semaphore(%run_scoped3A : memref<!tpu.dma_semaphore, #tpu.memory_space<semaphore_mem>>)
      %dma_wait3A_161 = arith.constant 0 : i32
      %dma_wait3A_162 = arith.constant 0 : i32
      %dma_wait3A_163 = tpu.memref_slice %arg11[%dma_wait3A_161, %dma_wait3A_162] : memref<768x20xf32, #tpu.memory_space<vmem>> -> memref<640x20xf32, #tpu.memory_space<vmem>>
      %dma_wait3A_164 = arith.constant 0 : i32
      %dma_wait3A_165 = tpu.memref_slice %arg4[%add3A_106, %dma_wait3A_164] : memref<163840x20xf32, #tpu.memory_space<hbm>> -> memref<640x20xf32, #tpu.memory_space<hbm>>
      %dma_wait3A_166 = arith.constant 0 : i32
      %dma_wait3A_167 = tpu.memref_slice %arg4[%add3A_106, %dma_wait3A_166] : memref<163840x20xf32, #tpu.memory_space<hbm>> -> memref<640x20xf32, #tpu.memory_space<hbm>>
      %dma_wait3A_168 = arith.constant 0 : i32
      %dma_wait3A_169 = arith.constant 0 : i32
      %dma_wait3A_170 = tpu.memref_slice %arg11[%dma_wait3A_168, %dma_wait3A_169] : memref<768x20xf32, #tpu.memory_space<vmem>> -> memref<640x20xf32, #tpu.memory_space<vmem>>
      tpu.wait_dma2 semaphore(%run_scoped3A : memref<!tpu.dma_semaphore, #tpu.memory_space<semaphore_mem>>) src(%dma_wait3A_170 : memref<640x20xf32, #tpu.memory_space<vmem>>) dst(%dma_wait3A_167 : memref<640x20xf32, #tpu.memory_space<hbm>>)
      tpu.yield
    }) : () -> ()
    %add3A_107 = arith.constant 1280 : i32
    %add3A_108 = arith.addi %mul3A_72, %add3A_107 : i32
    "tpu.region"() ({
      %run_scoped3A = tpu.sem_alloc : memref<!tpu.dma_semaphore, #tpu.memory_space<semaphore_mem>>
      %dma_start3A_151 = arith.constant 0 : i32
      %dma_start3A_152 = arith.constant 0 : i32
      %dma_start3A_153 = tpu.memref_slice %arg12[%dma_start3A_151, %dma_start3A_152] : memref<768x20xf32, #tpu.memory_space<vmem>> -> memref<640x20xf32, #tpu.memory_space<vmem>>
      %dma_start3A_154 = arith.constant 0 : i32
      %dma_start3A_155 = tpu.memref_slice %arg4[%add3A_108, %dma_start3A_154] : memref<163840x20xf32, #tpu.memory_space<hbm>> -> memref<640x20xf32, #tpu.memory_space<hbm>>
      %dma_start3A_156 = arith.constant 0 : i32
      %dma_start3A_157 = tpu.memref_slice %arg4[%add3A_108, %dma_start3A_156] : memref<163840x20xf32, #tpu.memory_space<hbm>> -> memref<640x20xf32, #tpu.memory_space<hbm>>
      %dma_start3A_158 = arith.constant 0 : i32
      %dma_start3A_159 = arith.constant 0 : i32
      %dma_start3A_160 = tpu.memref_slice %arg12[%dma_start3A_158, %dma_start3A_159] : memref<768x20xf32, #tpu.memory_space<vmem>> -> memref<640x20xf32, #tpu.memory_space<vmem>>
      tpu.enqueue_dma source(%dma_start3A_160 : memref<640x20xf32, #tpu.memory_space<vmem>>) target(%dma_start3A_157 : memref<640x20xf32, #tpu.memory_space<hbm>>) target_semaphore(%run_scoped3A : memref<!tpu.dma_semaphore, #tpu.memory_space<semaphore_mem>>)
      %dma_wait3A_161 = arith.constant 0 : i32
      %dma_wait3A_162 = arith.constant 0 : i32
      %dma_wait3A_163 = tpu.memref_slice %arg12[%dma_wait3A_161, %dma_wait3A_162] : memref<768x20xf32, #tpu.memory_space<vmem>> -> memref<640x20xf32, #tpu.memory_space<vmem>>
      %dma_wait3A_164 = arith.constant 0 : i32
      %dma_wait3A_165 = tpu.memref_slice %arg4[%add3A_108, %dma_wait3A_164] : memref<163840x20xf32, #tpu.memory_space<hbm>> -> memref<640x20xf32, #tpu.memory_space<hbm>>
      %dma_wait3A_166 = arith.constant 0 : i32
      %dma_wait3A_167 = tpu.memref_slice %arg4[%add3A_108, %dma_wait3A_166] : memref<163840x20xf32, #tpu.memory_space<hbm>> -> memref<640x20xf32, #tpu.memory_space<hbm>>
      %dma_wait3A_168 = arith.constant 0 : i32
      %dma_wait3A_169 = arith.constant 0 : i32
      %dma_wait3A_170 = tpu.memref_slice %arg12[%dma_wait3A_168, %dma_wait3A_169] : memref<768x20xf32, #tpu.memory_space<vmem>> -> memref<640x20xf32, #tpu.memory_space<vmem>>
      tpu.wait_dma2 semaphore(%run_scoped3A : memref<!tpu.dma_semaphore, #tpu.memory_space<semaphore_mem>>) src(%dma_wait3A_170 : memref<640x20xf32, #tpu.memory_space<vmem>>) dst(%dma_wait3A_167 : memref<640x20xf32, #tpu.memory_space<hbm>>)
      tpu.yield
    }) : () -> ()
    %add3A_109 = arith.constant 1920 : i32
    %add3A_110 = arith.addi %mul3A_72, %add3A_109 : i32
    "tpu.region"() ({
      %run_scoped3A = tpu.sem_alloc : memref<!tpu.dma_semaphore, #tpu.memory_space<semaphore_mem>>
      %dma_start3A_151 = arith.constant 0 : i32
      %dma_start3A_152 = arith.constant 0 : i32
      %dma_start3A_153 = tpu.memref_slice %arg13[%dma_start3A_151, %dma_start3A_152] : memref<768x20xf32, #tpu.memory_space<vmem>> -> memref<640x20xf32, #tpu.memory_space<vmem>>
      %dma_start3A_154 = arith.constant 0 : i32
      %dma_start3A_155 = tpu.memref_slice %arg4[%add3A_110, %dma_start3A_154] : memref<163840x20xf32, #tpu.memory_space<hbm>> -> memref<640x20xf32, #tpu.memory_space<hbm>>
      %dma_start3A_156 = arith.constant 0 : i32
      %dma_start3A_157 = tpu.memref_slice %arg4[%add3A_110, %dma_start3A_156] : memref<163840x20xf32, #tpu.memory_space<hbm>> -> memref<640x20xf32, #tpu.memory_space<hbm>>
      %dma_start3A_158 = arith.constant 0 : i32
      %dma_start3A_159 = arith.constant 0 : i32
      %dma_start3A_160 = tpu.memref_slice %arg13[%dma_start3A_158, %dma_start3A_159] : memref<768x20xf32, #tpu.memory_space<vmem>> -> memref<640x20xf32, #tpu.memory_space<vmem>>
      tpu.enqueue_dma source(%dma_start3A_160 : memref<640x20xf32, #tpu.memory_space<vmem>>) target(%dma_start3A_157 : memref<640x20xf32, #tpu.memory_space<hbm>>) target_semaphore(%run_scoped3A : memref<!tpu.dma_semaphore, #tpu.memory_space<semaphore_mem>>)
      %dma_wait3A_161 = arith.constant 0 : i32
      %dma_wait3A_162 = arith.constant 0 : i32
      %dma_wait3A_163 = tpu.memref_slice %arg13[%dma_wait3A_161, %dma_wait3A_162] : memref<768x20xf32, #tpu.memory_space<vmem>> -> memref<640x20xf32, #tpu.memory_space<vmem>>
      %dma_wait3A_164 = arith.constant 0 : i32
      %dma_wait3A_165 = tpu.memref_slice %arg4[%add3A_110, %dma_wait3A_164] : memref<163840x20xf32, #tpu.memory_space<hbm>> -> memref<640x20xf32, #tpu.memory_space<hbm>>
      %dma_wait3A_166 = arith.constant 0 : i32
      %dma_wait3A_167 = tpu.memref_slice %arg4[%add3A_110, %dma_wait3A_166] : memref<163840x20xf32, #tpu.memory_space<hbm>> -> memref<640x20xf32, #tpu.memory_space<hbm>>
      %dma_wait3A_168 = arith.constant 0 : i32
      %dma_wait3A_169 = arith.constant 0 : i32
      %dma_wait3A_170 = tpu.memref_slice %arg13[%dma_wait3A_168, %dma_wait3A_169] : memref<768x20xf32, #tpu.memory_space<vmem>> -> memref<640x20xf32, #tpu.memory_space<vmem>>
      tpu.wait_dma2 semaphore(%run_scoped3A : memref<!tpu.dma_semaphore, #tpu.memory_space<semaphore_mem>>) src(%dma_wait3A_170 : memref<640x20xf32, #tpu.memory_space<vmem>>) dst(%dma_wait3A_167 : memref<640x20xf32, #tpu.memory_space<hbm>>)
      tpu.yield
    }) : () -> ()
    %add3A_111 = arith.constant 3072 : i32
    %add3A_112 = arith.addi %mul3A_68, %add3A_111 : i32
    "tpu.region"() ({
      %run_scoped3A = tpu.sem_alloc : memref<!tpu.dma_semaphore, #tpu.memory_space<semaphore_mem>>
      %dma_start3A_151 = tpu.memref_slice %arg3[%add3A_112] : memref<196608xi32, #tpu.memory_space<hbm>> -> memref<768xi32, #tpu.memory_space<hbm>>
      %dma_start3A_152 = tpu.memref_slice %arg3[%add3A_112] : memref<196608xi32, #tpu.memory_space<hbm>> -> memref<768xi32, #tpu.memory_space<hbm>>
      tpu.enqueue_dma source(%dma_start3A_152 : memref<768xi32, #tpu.memory_space<hbm>>) target(%arg5 : memref<768xi32, #tpu.memory_space<vmem>>) target_semaphore(%run_scoped3A : memref<!tpu.dma_semaphore, #tpu.memory_space<semaphore_mem>>)
      %dma_wait3A_153 = tpu.memref_slice %arg3[%add3A_112] : memref<196608xi32, #tpu.memory_space<hbm>> -> memref<768xi32, #tpu.memory_space<hbm>>
      %dma_wait3A_154 = tpu.memref_slice %arg3[%add3A_112] : memref<196608xi32, #tpu.memory_space<hbm>> -> memref<768xi32, #tpu.memory_space<hbm>>
      tpu.wait_dma2 semaphore(%run_scoped3A : memref<!tpu.dma_semaphore, #tpu.memory_space<semaphore_mem>>) src(%dma_wait3A_154 : memref<768xi32, #tpu.memory_space<hbm>>) dst(%arg5 : memref<768xi32, #tpu.memory_space<vmem>>)
      tpu.yield
    }) : () -> ()
    %add3A_113 = arith.constant 3840 : i32
    %add3A_114 = arith.addi %mul3A_68, %add3A_113 : i32
    "tpu.region"() ({
      %run_scoped3A = tpu.sem_alloc : memref<!tpu.dma_semaphore, #tpu.memory_space<semaphore_mem>>
      %dma_start3A_151 = tpu.memref_slice %arg3[%add3A_114] : memref<196608xi32, #tpu.memory_space<hbm>> -> memref<768xi32, #tpu.memory_space<hbm>>
      %dma_start3A_152 = tpu.memref_slice %arg3[%add3A_114] : memref<196608xi32, #tpu.memory_space<hbm>> -> memref<768xi32, #tpu.memory_space<hbm>>
      tpu.enqueue_dma source(%dma_start3A_152 : memref<768xi32, #tpu.memory_space<hbm>>) target(%arg6 : memref<768xi32, #tpu.memory_space<vmem>>) target_semaphore(%run_scoped3A : memref<!tpu.dma_semaphore, #tpu.memory_space<semaphore_mem>>)
      %dma_wait3A_153 = tpu.memref_slice %arg3[%add3A_114] : memref<196608xi32, #tpu.memory_space<hbm>> -> memref<768xi32, #tpu.memory_space<hbm>>
      %dma_wait3A_154 = tpu.memref_slice %arg3[%add3A_114] : memref<196608xi32, #tpu.memory_space<hbm>> -> memref<768xi32, #tpu.memory_space<hbm>>
      tpu.wait_dma2 semaphore(%run_scoped3A : memref<!tpu.dma_semaphore, #tpu.memory_space<semaphore_mem>>) src(%dma_wait3A_154 : memref<768xi32, #tpu.memory_space<hbm>>) dst(%arg6 : memref<768xi32, #tpu.memory_space<vmem>>)
      tpu.yield
    }) : () -> ()
    %add3A_115 = arith.constant 4608 : i32
    %add3A_116 = arith.addi %mul3A_68, %add3A_115 : i32
    "tpu.region"() ({
      %run_scoped3A = tpu.sem_alloc : memref<!tpu.dma_semaphore, #tpu.memory_space<semaphore_mem>>
      %dma_start3A_151 = tpu.memref_slice %arg3[%add3A_116] : memref<196608xi32, #tpu.memory_space<hbm>> -> memref<768xi32, #tpu.memory_space<hbm>>
      %dma_start3A_152 = tpu.memref_slice %arg3[%add3A_116] : memref<196608xi32, #tpu.memory_space<hbm>> -> memref<768xi32, #tpu.memory_space<hbm>>
      tpu.enqueue_dma source(%dma_start3A_152 : memref<768xi32, #tpu.memory_space<hbm>>) target(%arg7 : memref<768xi32, #tpu.memory_space<vmem>>) target_semaphore(%run_scoped3A : memref<!tpu.dma_semaphore, #tpu.memory_space<semaphore_mem>>)
      %dma_wait3A_153 = tpu.memref_slice %arg3[%add3A_116] : memref<196608xi32, #tpu.memory_space<hbm>> -> memref<768xi32, #tpu.memory_space<hbm>>
      %dma_wait3A_154 = tpu.memref_slice %arg3[%add3A_116] : memref<196608xi32, #tpu.memory_space<hbm>> -> memref<768xi32, #tpu.memory_space<hbm>>
      tpu.wait_dma2 semaphore(%run_scoped3A : memref<!tpu.dma_semaphore, #tpu.memory_space<semaphore_mem>>) src(%dma_wait3A_154 : memref<768xi32, #tpu.memory_space<hbm>>) dst(%arg7 : memref<768xi32, #tpu.memory_space<vmem>>)
      tpu.yield
    }) : () -> ()
    %add3A_117 = arith.constant 5376 : i32
    %add3A_118 = arith.addi %mul3A_68, %add3A_117 : i32
    "tpu.region"() ({
      %run_scoped3A = tpu.sem_alloc : memref<!tpu.dma_semaphore, #tpu.memory_space<semaphore_mem>>
      %dma_start3A_151 = tpu.memref_slice %arg3[%add3A_118] : memref<196608xi32, #tpu.memory_space<hbm>> -> memref<768xi32, #tpu.memory_space<hbm>>
      %dma_start3A_152 = tpu.memref_slice %arg3[%add3A_118] : memref<196608xi32, #tpu.memory_space<hbm>> -> memref<768xi32, #tpu.memory_space<hbm>>
      tpu.enqueue_dma source(%dma_start3A_152 : memref<768xi32, #tpu.memory_space<hbm>>) target(%arg8 : memref<768xi32, #tpu.memory_space<vmem>>) target_semaphore(%run_scoped3A : memref<!tpu.dma_semaphore, #tpu.memory_space<semaphore_mem>>)
      %dma_wait3A_153 = tpu.memref_slice %arg3[%add3A_118] : memref<196608xi32, #tpu.memory_space<hbm>> -> memref<768xi32, #tpu.memory_space<hbm>>
      %dma_wait3A_154 = tpu.memref_slice %arg3[%add3A_118] : memref<196608xi32, #tpu.memory_space<hbm>> -> memref<768xi32, #tpu.memory_space<hbm>>
      tpu.wait_dma2 semaphore(%run_scoped3A : memref<!tpu.dma_semaphore, #tpu.memory_space<semaphore_mem>>) src(%dma_wait3A_154 : memref<768xi32, #tpu.memory_space<hbm>>) dst(%arg8 : memref<768xi32, #tpu.memory_space<vmem>>)
      tpu.yield
    }) : () -> ()
    %dma_start3A_119 = arith.constant 0 : i32
    %dma_start3A_120 = arith.constant 0 : i32
    %dma_start3A_121 = tpu.memref_slice %arg2[%dma_start3A_119, %dma_start3A_120] : memref<1000000x20xf32, #tpu.memory_space<hbm>> -> memref<1000000x20xf32, #tpu.memory_space<hbm>>
    tpu.enqueue_indirect_dma source(%dma_start3A_121 : memref<1000000x20xf32, #tpu.memory_space<hbm>>) target(%arg10 : memref<768x20xf32, #tpu.memory_space<vmem>>) offsets(%arg5 : memref<768xi32, #tpu.memory_space<vmem>>) semaphore(%arg14 : memref<!tpu.dma_semaphore, #tpu.memory_space<semaphore_mem>>)
    %dma_start3A_122 = arith.constant 0 : i32
    %dma_start3A_123 = arith.constant 0 : i32
    %dma_start3A_124 = tpu.memref_slice %arg2[%dma_start3A_122, %dma_start3A_123] : memref<1000000x20xf32, #tpu.memory_space<hbm>> -> memref<1000000x20xf32, #tpu.memory_space<hbm>>
    tpu.enqueue_indirect_dma source(%dma_start3A_124 : memref<1000000x20xf32, #tpu.memory_space<hbm>>) target(%arg11 : memref<768x20xf32, #tpu.memory_space<vmem>>) offsets(%arg6 : memref<768xi32, #tpu.memory_space<vmem>>) semaphore(%arg14 : memref<!tpu.dma_semaphore, #tpu.memory_space<semaphore_mem>>)
    %dma_start3A_125 = arith.constant 0 : i32
    %dma_start3A_126 = arith.constant 0 : i32
    %dma_start3A_127 = tpu.memref_slice %arg2[%dma_start3A_125, %dma_start3A_126] : memref<1000000x20xf32, #tpu.memory_space<hbm>> -> memref<1000000x20xf32, #tpu.memory_space<hbm>>
    tpu.enqueue_indirect_dma source(%dma_start3A_127 : memref<1000000x20xf32, #tpu.memory_space<hbm>>) target(%arg12 : memref<768x20xf32, #tpu.memory_space<vmem>>) offsets(%arg7 : memref<768xi32, #tpu.memory_space<vmem>>) semaphore(%arg14 : memref<!tpu.dma_semaphore, #tpu.memory_space<semaphore_mem>>)
    %dma_start3A_128 = arith.constant 0 : i32
    %dma_start3A_129 = arith.constant 0 : i32
    %dma_start3A_130 = tpu.memref_slice %arg2[%dma_start3A_128, %dma_start3A_129] : memref<1000000x20xf32, #tpu.memory_space<hbm>> -> memref<1000000x20xf32, #tpu.memory_space<hbm>>
    tpu.enqueue_indirect_dma source(%dma_start3A_130 : memref<1000000x20xf32, #tpu.memory_space<hbm>>) target(%arg13 : memref<768x20xf32, #tpu.memory_space<vmem>>) offsets(%arg8 : memref<768xi32, #tpu.memory_space<vmem>>) semaphore(%arg14 : memref<!tpu.dma_semaphore, #tpu.memory_space<semaphore_mem>>)
    %dma_wait3A_131 = arith.constant 0 : i32
    %dma_wait3A_132 = arith.constant 0 : i32
    %dma_wait3A_133 = tpu.memref_slice %arg2[%dma_wait3A_131, %dma_wait3A_132] : memref<1000000x20xf32, #tpu.memory_space<hbm>> -> memref<1000000x20xf32, #tpu.memory_space<hbm>>
    tpu.wait_indirect_dma semaphore(%arg14 : memref<!tpu.dma_semaphore, #tpu.memory_space<semaphore_mem>>) src(%dma_wait3A_133 : memref<1000000x20xf32, #tpu.memory_space<hbm>>) dst(%arg10 : memref<768x20xf32, #tpu.memory_space<vmem>>)
    %dma_wait3A_134 = arith.constant 0 : i32
    %dma_wait3A_135 = arith.constant 0 : i32
    %dma_wait3A_136 = tpu.memref_slice %arg2[%dma_wait3A_134, %dma_wait3A_135] : memref<1000000x20xf32, #tpu.memory_space<hbm>> -> memref<1000000x20xf32, #tpu.memory_space<hbm>>
    tpu.wait_indirect_dma semaphore(%arg14 : memref<!tpu.dma_semaphore, #tpu.memory_space<semaphore_mem>>) src(%dma_wait3A_136 : memref<1000000x20xf32, #tpu.memory_space<hbm>>) dst(%arg11 : memref<768x20xf32, #tpu.memory_space<vmem>>)
    %dma_wait3A_137 = arith.constant 0 : i32
    %dma_wait3A_138 = arith.constant 0 : i32
    %dma_wait3A_139 = tpu.memref_slice %arg2[%dma_wait3A_137, %dma_wait3A_138] : memref<1000000x20xf32, #tpu.memory_space<hbm>> -> memref<1000000x20xf32, #tpu.memory_space<hbm>>
    tpu.wait_indirect_dma semaphore(%arg14 : memref<!tpu.dma_semaphore, #tpu.memory_space<semaphore_mem>>) src(%dma_wait3A_139 : memref<1000000x20xf32, #tpu.memory_space<hbm>>) dst(%arg12 : memref<768x20xf32, #tpu.memory_space<vmem>>)
    %dma_wait3A_140 = arith.constant 0 : i32
    %dma_wait3A_141 = arith.constant 0 : i32
    %dma_wait3A_142 = tpu.memref_slice %arg2[%dma_wait3A_140, %dma_wait3A_141] : memref<1000000x20xf32, #tpu.memory_space<hbm>> -> memref<1000000x20xf32, #tpu.memory_space<hbm>>
    tpu.wait_indirect_dma semaphore(%arg14 : memref<!tpu.dma_semaphore, #tpu.memory_space<semaphore_mem>>) src(%dma_wait3A_142 : memref<1000000x20xf32, #tpu.memory_space<hbm>>) dst(%arg13 : memref<768x20xf32, #tpu.memory_space<vmem>>)
    %add3A_143 = arith.constant 2560 : i32
    %add3A_144 = arith.addi %mul3A_72, %add3A_143 : i32
    "tpu.region"() ({
      %run_scoped3A = tpu.sem_alloc : memref<!tpu.dma_semaphore, #tpu.memory_space<semaphore_mem>>
      %dma_start3A_151 = arith.constant 0 : i32
      %dma_start3A_152 = arith.constant 0 : i32
      %dma_start3A_153 = tpu.memref_slice %arg10[%dma_start3A_151, %dma_start3A_152] : memref<768x20xf32, #tpu.memory_space<vmem>> -> memref<640x20xf32, #tpu.memory_space<vmem>>
      %dma_start3A_154 = arith.constant 0 : i32
      %dma_start3A_155 = tpu.memref_slice %arg4[%add3A_144, %dma_start3A_154] : memref<163840x20xf32, #tpu.memory_space<hbm>> -> memref<640x20xf32, #tpu.memory_space<hbm>>
      %dma_start3A_156 = arith.constant 0 : i32
      %dma_start3A_157 = tpu.memref_slice %arg4[%add3A_144, %dma_start3A_156] : memref<163840x20xf32, #tpu.memory_space<hbm>> -> memref<640x20xf32, #tpu.memory_space<hbm>>
      %dma_start3A_158 = arith.constant 0 : i32
      %dma_start3A_159 = arith.constant 0 : i32
      %dma_start3A_160 = tpu.memref_slice %arg10[%dma_start3A_158, %dma_start3A_159] : memref<768x20xf32, #tpu.memory_space<vmem>> -> memref<640x20xf32, #tpu.memory_space<vmem>>
      tpu.enqueue_dma source(%dma_start3A_160 : memref<640x20xf32, #tpu.memory_space<vmem>>) target(%dma_start3A_157 : memref<640x20xf32, #tpu.memory_space<hbm>>) target_semaphore(%run_scoped3A : memref<!tpu.dma_semaphore, #tpu.memory_space<semaphore_mem>>)
      %dma_wait3A_161 = arith.constant 0 : i32
      %dma_wait3A_162 = arith.constant 0 : i32
      %dma_wait3A_163 = tpu.memref_slice %arg10[%dma_wait3A_161, %dma_wait3A_162] : memref<768x20xf32, #tpu.memory_space<vmem>> -> memref<640x20xf32, #tpu.memory_space<vmem>>
      %dma_wait3A_164 = arith.constant 0 : i32
      %dma_wait3A_165 = tpu.memref_slice %arg4[%add3A_144, %dma_wait3A_164] : memref<163840x20xf32, #tpu.memory_space<hbm>> -> memref<640x20xf32, #tpu.memory_space<hbm>>
      %dma_wait3A_166 = arith.constant 0 : i32
      %dma_wait3A_167 = tpu.memref_slice %arg4[%add3A_144, %dma_wait3A_166] : memref<163840x20xf32, #tpu.memory_space<hbm>> -> memref<640x20xf32, #tpu.memory_space<hbm>>
      %dma_wait3A_168 = arith.constant 0 : i32
      %dma_wait3A_169 = arith.constant 0 : i32
      %dma_wait3A_170 = tpu.memref_slice %arg10[%dma_wait3A_168, %dma_wait3A_169] : memref<768x20xf32, #tpu.memory_space<vmem>> -> memref<640x20xf32, #tpu.memory_space<vmem>>
      tpu.wait_dma2 semaphore(%run_scoped3A : memref<!tpu.dma_semaphore, #tpu.memory_space<semaphore_mem>>) src(%dma_wait3A_170 : memref<640x20xf32, #tpu.memory_space<vmem>>) dst(%dma_wait3A_167 : memref<640x20xf32, #tpu.memory_space<hbm>>)
      tpu.yield
    }) : () -> ()
    %add3A_145 = arith.constant 3200 : i32
    %add3A_146 = arith.addi %mul3A_72, %add3A_145 : i32
    "tpu.region"() ({
      %run_scoped3A = tpu.sem_alloc : memref<!tpu.dma_semaphore, #tpu.memory_space<semaphore_mem>>
      %dma_start3A_151 = arith.constant 0 : i32
      %dma_start3A_152 = arith.constant 0 : i32
      %dma_start3A_153 = tpu.memref_slice %arg11[%dma_start3A_151, %dma_start3A_152] : memref<768x20xf32, #tpu.memory_space<vmem>> -> memref<640x20xf32, #tpu.memory_space<vmem>>
      %dma_start3A_154 = arith.constant 0 : i32
      %dma_start3A_155 = tpu.memref_slice %arg4[%add3A_146, %dma_start3A_154] : memref<163840x20xf32, #tpu.memory_space<hbm>> -> memref<640x20xf32, #tpu.memory_space<hbm>>
      %dma_start3A_156 = arith.constant 0 : i32
      %dma_start3A_157 = tpu.memref_slice %arg4[%add3A_146, %dma_start3A_156] : memref<163840x20xf32, #tpu.memory_space<hbm>> -> memref<640x20xf32, #tpu.memory_space<hbm>>
      %dma_start3A_158 = arith.constant 0 : i32
      %dma_start3A_159 = arith.constant 0 : i32
      %dma_start3A_160 = tpu.memref_slice %arg11[%dma_start3A_158, %dma_start3A_159] : memref<768x20xf32, #tpu.memory_space<vmem>> -> memref<640x20xf32, #tpu.memory_space<vmem>>
      tpu.enqueue_dma source(%dma_start3A_160 : memref<640x20xf32, #tpu.memory_space<vmem>>) target(%dma_start3A_157 : memref<640x20xf32, #tpu.memory_space<hbm>>) target_semaphore(%run_scoped3A : memref<!tpu.dma_semaphore, #tpu.memory_space<semaphore_mem>>)
      %dma_wait3A_161 = arith.constant 0 : i32
      %dma_wait3A_162 = arith.constant 0 : i32
      %dma_wait3A_163 = tpu.memref_slice %arg11[%dma_wait3A_161, %dma_wait3A_162] : memref<768x20xf32, #tpu.memory_space<vmem>> -> memref<640x20xf32, #tpu.memory_space<vmem>>
      %dma_wait3A_164 = arith.constant 0 : i32
      %dma_wait3A_165 = tpu.memref_slice %arg4[%add3A_146, %dma_wait3A_164] : memref<163840x20xf32, #tpu.memory_space<hbm>> -> memref<640x20xf32, #tpu.memory_space<hbm>>
      %dma_wait3A_166 = arith.constant 0 : i32
      %dma_wait3A_167 = tpu.memref_slice %arg4[%add3A_146, %dma_wait3A_166] : memref<163840x20xf32, #tpu.memory_space<hbm>> -> memref<640x20xf32, #tpu.memory_space<hbm>>
      %dma_wait3A_168 = arith.constant 0 : i32
      %dma_wait3A_169 = arith.constant 0 : i32
      %dma_wait3A_170 = tpu.memref_slice %arg11[%dma_wait3A_168, %dma_wait3A_169] : memref<768x20xf32, #tpu.memory_space<vmem>> -> memref<640x20xf32, #tpu.memory_space<vmem>>
      tpu.wait_dma2 semaphore(%run_scoped3A : memref<!tpu.dma_semaphore, #tpu.memory_space<semaphore_mem>>) src(%dma_wait3A_170 : memref<640x20xf32, #tpu.memory_space<vmem>>) dst(%dma_wait3A_167 : memref<640x20xf32, #tpu.memory_space<hbm>>)
      tpu.yield
    }) : () -> ()
    %add3A_147 = arith.constant 3840 : i32
    %add3A_148 = arith.addi %mul3A_72, %add3A_147 : i32
    "tpu.region"() ({
      %run_scoped3A = tpu.sem_alloc : memref<!tpu.dma_semaphore, #tpu.memory_space<semaphore_mem>>
      %dma_start3A_151 = arith.constant 0 : i32
      %dma_start3A_152 = arith.constant 0 : i32
      %dma_start3A_153 = tpu.memref_slice %arg12[%dma_start3A_151, %dma_start3A_152] : memref<768x20xf32, #tpu.memory_space<vmem>> -> memref<640x20xf32, #tpu.memory_space<vmem>>
      %dma_start3A_154 = arith.constant 0 : i32
      %dma_start3A_155 = tpu.memref_slice %arg4[%add3A_148, %dma_start3A_154] : memref<163840x20xf32, #tpu.memory_space<hbm>> -> memref<640x20xf32, #tpu.memory_space<hbm>>
      %dma_start3A_156 = arith.constant 0 : i32
      %dma_start3A_157 = tpu.memref_slice %arg4[%add3A_148, %dma_start3A_156] : memref<163840x20xf32, #tpu.memory_space<hbm>> -> memref<640x20xf32, #tpu.memory_space<hbm>>
      %dma_start3A_158 = arith.constant 0 : i32
      %dma_start3A_159 = arith.constant 0 : i32
      %dma_start3A_160 = tpu.memref_slice %arg12[%dma_start3A_158, %dma_start3A_159] : memref<768x20xf32, #tpu.memory_space<vmem>> -> memref<640x20xf32, #tpu.memory_space<vmem>>
      tpu.enqueue_dma source(%dma_start3A_160 : memref<640x20xf32, #tpu.memory_space<vmem>>) target(%dma_start3A_157 : memref<640x20xf32, #tpu.memory_space<hbm>>) target_semaphore(%run_scoped3A : memref<!tpu.dma_semaphore, #tpu.memory_space<semaphore_mem>>)
      %dma_wait3A_161 = arith.constant 0 : i32
      %dma_wait3A_162 = arith.constant 0 : i32
      %dma_wait3A_163 = tpu.memref_slice %arg12[%dma_wait3A_161, %dma_wait3A_162] : memref<768x20xf32, #tpu.memory_space<vmem>> -> memref<640x20xf32, #tpu.memory_space<vmem>>
      %dma_wait3A_164 = arith.constant 0 : i32
      %dma_wait3A_165 = tpu.memref_slice %arg4[%add3A_148, %dma_wait3A_164] : memref<163840x20xf32, #tpu.memory_space<hbm>> -> memref<640x20xf32, #tpu.memory_space<hbm>>
      %dma_wait3A_166 = arith.constant 0 : i32
      %dma_wait3A_167 = tpu.memref_slice %arg4[%add3A_148, %dma_wait3A_166] : memref<163840x20xf32, #tpu.memory_space<hbm>> -> memref<640x20xf32, #tpu.memory_space<hbm>>
      %dma_wait3A_168 = arith.constant 0 : i32
      %dma_wait3A_169 = arith.constant 0 : i32
      %dma_wait3A_170 = tpu.memref_slice %arg12[%dma_wait3A_168, %dma_wait3A_169] : memref<768x20xf32, #tpu.memory_space<vmem>> -> memref<640x20xf32, #tpu.memory_space<vmem>>
      tpu.wait_dma2 semaphore(%run_scoped3A : memref<!tpu.dma_semaphore, #tpu.memory_space<semaphore_mem>>) src(%dma_wait3A_170 : memref<640x20xf32, #tpu.memory_space<vmem>>) dst(%dma_wait3A_167 : memref<640x20xf32, #tpu.memory_space<hbm>>)
      tpu.yield
    }) : () -> ()
    %add3A_149 = arith.constant 4480 : i32
    %add3A_150 = arith.addi %mul3A_72, %add3A_149 : i32
    "tpu.region"() ({
      %run_scoped3A = tpu.sem_alloc : memref<!tpu.dma_semaphore, #tpu.memory_space<semaphore_mem>>
      %dma_start3A_151 = arith.constant 0 : i32
      %dma_start3A_152 = arith.constant 0 : i32
      %dma_start3A_153 = tpu.memref_slice %arg13[%dma_start3A_151, %dma_start3A_152] : memref<768x20xf32, #tpu.memory_space<vmem>> -> memref<640x20xf32, #tpu.memory_space<vmem>>
      %dma_start3A_154 = arith.constant 0 : i32
      %dma_start3A_155 = tpu.memref_slice %arg4[%add3A_150, %dma_start3A_154] : memref<163840x20xf32, #tpu.memory_space<hbm>> -> memref<640x20xf32, #tpu.memory_space<hbm>>
      %dma_start3A_156 = arith.constant 0 : i32
      %dma_start3A_157 = tpu.memref_slice %arg4[%add3A_150, %dma_start3A_156] : memref<163840x20xf32, #tpu.memory_space<hbm>> -> memref<640x20xf32, #tpu.memory_space<hbm>>
      %dma_start3A_158 = arith.constant 0 : i32
      %dma_start3A_159 = arith.constant 0 : i32
      %dma_start3A_160 = tpu.memref_slice %arg13[%dma_start3A_158, %dma_start3A_159] : memref<768x20xf32, #tpu.memory_space<vmem>> -> memref<640x20xf32, #tpu.memory_space<vmem>>
      tpu.enqueue_dma source(%dma_start3A_160 : memref<640x20xf32, #tpu.memory_space<vmem>>) target(%dma_start3A_157 : memref<640x20xf32, #tpu.memory_space<hbm>>) target_semaphore(%run_scoped3A : memref<!tpu.dma_semaphore, #tpu.memory_space<semaphore_mem>>)
      %dma_wait3A_161 = arith.constant 0 : i32
      %dma_wait3A_162 = arith.constant 0 : i32
      %dma_wait3A_163 = tpu.memref_slice %arg13[%dma_wait3A_161, %dma_wait3A_162] : memref<768x20xf32, #tpu.memory_space<vmem>> -> memref<640x20xf32, #tpu.memory_space<vmem>>
      %dma_wait3A_164 = arith.constant 0 : i32
      %dma_wait3A_165 = tpu.memref_slice %arg4[%add3A_150, %dma_wait3A_164] : memref<163840x20xf32, #tpu.memory_space<hbm>> -> memref<640x20xf32, #tpu.memory_space<hbm>>
      %dma_wait3A_166 = arith.constant 0 : i32
      %dma_wait3A_167 = tpu.memref_slice %arg4[%add3A_150, %dma_wait3A_166] : memref<163840x20xf32, #tpu.memory_space<hbm>> -> memref<640x20xf32, #tpu.memory_space<hbm>>
      %dma_wait3A_168 = arith.constant 0 : i32
      %dma_wait3A_169 = arith.constant 0 : i32
      %dma_wait3A_170 = tpu.memref_slice %arg13[%dma_wait3A_168, %dma_wait3A_169] : memref<768x20xf32, #tpu.memory_space<vmem>> -> memref<640x20xf32, #tpu.memory_space<vmem>>
      tpu.wait_dma2 semaphore(%run_scoped3A : memref<!tpu.dma_semaphore, #tpu.memory_space<semaphore_mem>>) src(%dma_wait3A_170 : memref<640x20xf32, #tpu.memory_space<vmem>>) dst(%dma_wait3A_167 : memref<640x20xf32, #tpu.memory_space<hbm>>)
      tpu.yield
    }) : () -> ()
    return
  }
}

module attributes {stable_mosaic.version = 14 : i64} {
  func.func @_mlp_body(%arg0: i32, %arg1: memref<2048x200xf32, #tpu.memory_space<vmem>>, %arg2: memref<2048x2xi32, #tpu.memory_space<vmem>>, %arg3: memref<500x20xf32, #tpu.memory_space<vmem>>, %arg4: memref<500x20xf32, #tpu.memory_space<vmem>>, %arg5: memref<1x20xf32, #tpu.memory_space<vmem>>, %arg6: memref<1x20xf32, #tpu.memory_space<vmem>>, %arg7: memref<1x1xf32, #tpu.memory_space<vmem>>, %arg8: memref<2048x1xf32, #tpu.memory_space<vmem>>) attributes {dimension_semantics = [#tpu.dimension_semantics<arbitrary>], iteration_bounds = array<i64: 8>, scalar_prefetch = 0 : i64, scratch_operands = 0 : i64, tpu.core_type = #tpu.core_type<tc>, window_params = [{transform_indices = @transform_0, window_bounds = array<i64: 2048, 200>}, {transform_indices = @transform_1, window_bounds = array<i64: 2048, 2>}, {pipeline_mode = #tpu.pipeline_mode<synchronous>, transform_indices = @transform_2, window_bounds = array<i64: 500, 20>}, {pipeline_mode = #tpu.pipeline_mode<synchronous>, transform_indices = @transform_3, window_bounds = array<i64: 500, 20>}, {pipeline_mode = #tpu.pipeline_mode<synchronous>, transform_indices = @transform_4, window_bounds = array<i64: 1, 20>}, {pipeline_mode = #tpu.pipeline_mode<synchronous>, transform_indices = @transform_5, window_bounds = array<i64: 1, 20>}, {pipeline_mode = #tpu.pipeline_mode<synchronous>, transform_indices = @transform_6, window_bounds = array<i64: 1, 1>}, {transform_indices = @transform_7, window_bounds = array<i64: 2048, 1>}]} {
    %get3A = arith.constant 0 : index
    %get3A_0 = arith.constant 0 : index
    %get3A_1 = vector.load %arg1[%get3A, %get3A_0] : memref<2048x200xf32, #tpu.memory_space<vmem>>, vector<2048x100xf32>
    %get3A_2 = arith.constant 0 : index
    %get3A_3 = arith.constant 100 : index
    %get3A_4 = vector.load %arg1[%get3A_2, %get3A_3] : memref<2048x200xf32, #tpu.memory_space<vmem>>, vector<2048x100xf32>
    %get3A_5 = arith.constant 0 : index
    %get3A_6 = arith.constant 0 : index
    %get3A_7 = vector.load %arg2[%get3A_5, %get3A_6] : memref<2048x2xi32, #tpu.memory_space<vmem>>, vector<2048x2xi32>
    %slice3A = vector.extract_strided_slice %get3A_7 {offsets = [0, 0], sizes = [2048, 1], strides = [1, 1]} : vector<2048x2xi32> to vector<2048x1xi32>
    %slice3A_8 = vector.extract_strided_slice %get3A_7 {offsets = [0, 1], sizes = [2048, 1], strides = [1, 1]} : vector<2048x2xi32> to vector<2048x1xi32>
    %get3A_9 = arith.constant 0 : index
    %get3A_10 = arith.constant 0 : index
    %get3A_11 = vector.load %arg5[%get3A_9, %get3A_10] : memref<1x20xf32, #tpu.memory_space<vmem>>, vector<1x20xf32>
    %broadcast_in_dim3A = vector.shape_cast %get3A_11 : vector<1x20xf32> to vector<1x20xf32>
    %broadcast_in_dim3A_12 = vector.broadcast %broadcast_in_dim3A : vector<1x20xf32> to vector<2048x20xf32>
    %get3A_13 = arith.constant 0 : index
    %get3A_14 = arith.constant 0 : index
    %get3A_15 = vector.load %arg3[%get3A_13, %get3A_14] : memref<500x20xf32, #tpu.memory_space<vmem>>, vector<100x20xf32>
    %dot_general3A = arith.constant dense<0.000000e+00> : vector<2048x20xf32>
    %dot_general3A_16 = tpu.matmul %get3A_1, %get3A_15, %dot_general3A {dimension_numbers = #tpu.dot_dimension_numbers<[1], [0], [0], [1], [0, 0, 1, 1], [], []>, transpose_lhs_hint = false} : vector<2048x100xf32>, vector<100x20xf32>, vector<2048x20xf32> -> vector<2048x20xf32>
    %get3A_17 = arith.constant 0 : index
    %get3A_18 = arith.constant 0 : index
    %get3A_19 = vector.load %arg4[%get3A_17, %get3A_18] : memref<500x20xf32, #tpu.memory_space<vmem>>, vector<100x20xf32>
    %dot_general3A_20 = arith.constant dense<0.000000e+00> : vector<2048x20xf32>
    %dot_general3A_21 = tpu.matmul %get3A_4, %get3A_19, %dot_general3A_20 {dimension_numbers = #tpu.dot_dimension_numbers<[1], [0], [0], [1], [0, 0, 1, 1], [], []>, transpose_lhs_hint = false} : vector<2048x100xf32>, vector<100x20xf32>, vector<2048x20xf32> -> vector<2048x20xf32>
    %eq3A = arith.constant 0 : i32
    %eq3A_22 = vector.broadcast %eq3A : i32 to vector<2048x1xi32>
    %eq3A_23 = arith.cmpi eq, %slice3A, %eq3A_22 : vector<2048x1xi32>
    %jit3A = arith.constant 0.000000e+00 : f32
    %broadcast_in_dim3A_24 = vector.shape_cast %eq3A_23 : vector<2048x1xi1> to vector<2048x1xi1>
    %broadcast_in_dim3A_25 = vector.broadcast %broadcast_in_dim3A_24 : vector<2048x1xi1> to vector<2048x20xi1>
    %broadcast_in_dim3A_26 = vector.broadcast %jit3A : f32 to vector<2048x20xf32>
    %select_n3A = arith.select %broadcast_in_dim3A_25, %dot_general3A_16, %broadcast_in_dim3A_26 : vector<2048x20xi1>, vector<2048x20xf32>
    %add3A = arith.addf %broadcast_in_dim3A_12, %select_n3A : vector<2048x20xf32>
    %eq3A_27 = arith.constant 0 : i32
    %eq3A_28 = vector.broadcast %eq3A_27 : i32 to vector<2048x1xi32>
    %eq3A_29 = arith.cmpi eq, %slice3A_8, %eq3A_28 : vector<2048x1xi32>
    %jit3A_30 = arith.constant 0.000000e+00 : f32
    %broadcast_in_dim3A_31 = vector.shape_cast %eq3A_29 : vector<2048x1xi1> to vector<2048x1xi1>
    %broadcast_in_dim3A_32 = vector.broadcast %broadcast_in_dim3A_31 : vector<2048x1xi1> to vector<2048x20xi1>
    %broadcast_in_dim3A_33 = vector.broadcast %jit3A_30 : f32 to vector<2048x20xf32>
    %select_n3A_34 = arith.select %broadcast_in_dim3A_32, %dot_general3A_21, %broadcast_in_dim3A_33 : vector<2048x20xi1>, vector<2048x20xf32>
    %add3A_35 = arith.addf %add3A, %select_n3A_34 : vector<2048x20xf32>
    %get3A_36 = arith.constant 100 : index
    %get3A_37 = arith.constant 0 : index
    %get3A_38 = vector.load %arg3[%get3A_36, %get3A_37] : memref<500x20xf32, #tpu.memory_space<vmem>>, vector<100x20xf32>
    %dot_general3A_39 = arith.constant dense<0.000000e+00> : vector<2048x20xf32>
    %dot_general3A_40 = tpu.matmul %get3A_1, %get3A_38, %dot_general3A_39 {dimension_numbers = #tpu.dot_dimension_numbers<[1], [0], [0], [1], [0, 0, 1, 1], [], []>, transpose_lhs_hint = false} : vector<2048x100xf32>, vector<100x20xf32>, vector<2048x20xf32> -> vector<2048x20xf32>
    %get3A_41 = arith.constant 100 : index
    %get3A_42 = arith.constant 0 : index
    %get3A_43 = vector.load %arg4[%get3A_41, %get3A_42] : memref<500x20xf32, #tpu.memory_space<vmem>>, vector<100x20xf32>
    %dot_general3A_44 = arith.constant dense<0.000000e+00> : vector<2048x20xf32>
    %dot_general3A_45 = tpu.matmul %get3A_4, %get3A_43, %dot_general3A_44 {dimension_numbers = #tpu.dot_dimension_numbers<[1], [0], [0], [1], [0, 0, 1, 1], [], []>, transpose_lhs_hint = false} : vector<2048x100xf32>, vector<100x20xf32>, vector<2048x20xf32> -> vector<2048x20xf32>
    %eq3A_46 = arith.constant 1 : i32
    %eq3A_47 = vector.broadcast %eq3A_46 : i32 to vector<2048x1xi32>
    %eq3A_48 = arith.cmpi eq, %slice3A, %eq3A_47 : vector<2048x1xi32>
    %jit3A_49 = arith.constant 0.000000e+00 : f32
    %broadcast_in_dim3A_50 = vector.shape_cast %eq3A_48 : vector<2048x1xi1> to vector<2048x1xi1>
    %broadcast_in_dim3A_51 = vector.broadcast %broadcast_in_dim3A_50 : vector<2048x1xi1> to vector<2048x20xi1>
    %broadcast_in_dim3A_52 = vector.broadcast %jit3A_49 : f32 to vector<2048x20xf32>
    %select_n3A_53 = arith.select %broadcast_in_dim3A_51, %dot_general3A_40, %broadcast_in_dim3A_52 : vector<2048x20xi1>, vector<2048x20xf32>
    %add3A_54 = arith.addf %add3A_35, %select_n3A_53 : vector<2048x20xf32>
    %eq3A_55 = arith.constant 1 : i32
    %eq3A_56 = vector.broadcast %eq3A_55 : i32 to vector<2048x1xi32>
    %eq3A_57 = arith.cmpi eq, %slice3A_8, %eq3A_56 : vector<2048x1xi32>
    %jit3A_58 = arith.constant 0.000000e+00 : f32
    %broadcast_in_dim3A_59 = vector.shape_cast %eq3A_57 : vector<2048x1xi1> to vector<2048x1xi1>
    %broadcast_in_dim3A_60 = vector.broadcast %broadcast_in_dim3A_59 : vector<2048x1xi1> to vector<2048x20xi1>
    %broadcast_in_dim3A_61 = vector.broadcast %jit3A_58 : f32 to vector<2048x20xf32>
    %select_n3A_62 = arith.select %broadcast_in_dim3A_60, %dot_general3A_45, %broadcast_in_dim3A_61 : vector<2048x20xi1>, vector<2048x20xf32>
    %add3A_63 = arith.addf %add3A_54, %select_n3A_62 : vector<2048x20xf32>
    %get3A_64 = arith.constant 200 : index
    %get3A_65 = arith.constant 0 : index
    %get3A_66 = vector.load %arg3[%get3A_64, %get3A_65] : memref<500x20xf32, #tpu.memory_space<vmem>>, vector<100x20xf32>
    %dot_general3A_67 = arith.constant dense<0.000000e+00> : vector<2048x20xf32>
    %dot_general3A_68 = tpu.matmul %get3A_1, %get3A_66, %dot_general3A_67 {dimension_numbers = #tpu.dot_dimension_numbers<[1], [0], [0], [1], [0, 0, 1, 1], [], []>, transpose_lhs_hint = false} : vector<2048x100xf32>, vector<100x20xf32>, vector<2048x20xf32> -> vector<2048x20xf32>
    %get3A_69 = arith.constant 200 : index
    %get3A_70 = arith.constant 0 : index
    %get3A_71 = vector.load %arg4[%get3A_69, %get3A_70] : memref<500x20xf32, #tpu.memory_space<vmem>>, vector<100x20xf32>
    %dot_general3A_72 = arith.constant dense<0.000000e+00> : vector<2048x20xf32>
    %dot_general3A_73 = tpu.matmul %get3A_4, %get3A_71, %dot_general3A_72 {dimension_numbers = #tpu.dot_dimension_numbers<[1], [0], [0], [1], [0, 0, 1, 1], [], []>, transpose_lhs_hint = false} : vector<2048x100xf32>, vector<100x20xf32>, vector<2048x20xf32> -> vector<2048x20xf32>
    %eq3A_74 = arith.constant 2 : i32
    %eq3A_75 = vector.broadcast %eq3A_74 : i32 to vector<2048x1xi32>
    %eq3A_76 = arith.cmpi eq, %slice3A, %eq3A_75 : vector<2048x1xi32>
    %jit3A_77 = arith.constant 0.000000e+00 : f32
    %broadcast_in_dim3A_78 = vector.shape_cast %eq3A_76 : vector<2048x1xi1> to vector<2048x1xi1>
    %broadcast_in_dim3A_79 = vector.broadcast %broadcast_in_dim3A_78 : vector<2048x1xi1> to vector<2048x20xi1>
    %broadcast_in_dim3A_80 = vector.broadcast %jit3A_77 : f32 to vector<2048x20xf32>
    %select_n3A_81 = arith.select %broadcast_in_dim3A_79, %dot_general3A_68, %broadcast_in_dim3A_80 : vector<2048x20xi1>, vector<2048x20xf32>
    %add3A_82 = arith.addf %add3A_63, %select_n3A_81 : vector<2048x20xf32>
    %eq3A_83 = arith.constant 2 : i32
    %eq3A_84 = vector.broadcast %eq3A_83 : i32 to vector<2048x1xi32>
    %eq3A_85 = arith.cmpi eq, %slice3A_8, %eq3A_84 : vector<2048x1xi32>
    %jit3A_86 = arith.constant 0.000000e+00 : f32
    %broadcast_in_dim3A_87 = vector.shape_cast %eq3A_85 : vector<2048x1xi1> to vector<2048x1xi1>
    %broadcast_in_dim3A_88 = vector.broadcast %broadcast_in_dim3A_87 : vector<2048x1xi1> to vector<2048x20xi1>
    %broadcast_in_dim3A_89 = vector.broadcast %jit3A_86 : f32 to vector<2048x20xf32>
    %select_n3A_90 = arith.select %broadcast_in_dim3A_88, %dot_general3A_73, %broadcast_in_dim3A_89 : vector<2048x20xi1>, vector<2048x20xf32>
    %add3A_91 = arith.addf %add3A_82, %select_n3A_90 : vector<2048x20xf32>
    %get3A_92 = arith.constant 300 : index
    %get3A_93 = arith.constant 0 : index
    %get3A_94 = vector.load %arg3[%get3A_92, %get3A_93] : memref<500x20xf32, #tpu.memory_space<vmem>>, vector<100x20xf32>
    %dot_general3A_95 = arith.constant dense<0.000000e+00> : vector<2048x20xf32>
    %dot_general3A_96 = tpu.matmul %get3A_1, %get3A_94, %dot_general3A_95 {dimension_numbers = #tpu.dot_dimension_numbers<[1], [0], [0], [1], [0, 0, 1, 1], [], []>, transpose_lhs_hint = false} : vector<2048x100xf32>, vector<100x20xf32>, vector<2048x20xf32> -> vector<2048x20xf32>
    %get3A_97 = arith.constant 300 : index
    %get3A_98 = arith.constant 0 : index
    %get3A_99 = vector.load %arg4[%get3A_97, %get3A_98] : memref<500x20xf32, #tpu.memory_space<vmem>>, vector<100x20xf32>
    %dot_general3A_100 = arith.constant dense<0.000000e+00> : vector<2048x20xf32>
    %dot_general3A_101 = tpu.matmul %get3A_4, %get3A_99, %dot_general3A_100 {dimension_numbers = #tpu.dot_dimension_numbers<[1], [0], [0], [1], [0, 0, 1, 1], [], []>, transpose_lhs_hint = false} : vector<2048x100xf32>, vector<100x20xf32>, vector<2048x20xf32> -> vector<2048x20xf32>
    %eq3A_102 = arith.constant 3 : i32
    %eq3A_103 = vector.broadcast %eq3A_102 : i32 to vector<2048x1xi32>
    %eq3A_104 = arith.cmpi eq, %slice3A, %eq3A_103 : vector<2048x1xi32>
    %jit3A_105 = arith.constant 0.000000e+00 : f32
    %broadcast_in_dim3A_106 = vector.shape_cast %eq3A_104 : vector<2048x1xi1> to vector<2048x1xi1>
    %broadcast_in_dim3A_107 = vector.broadcast %broadcast_in_dim3A_106 : vector<2048x1xi1> to vector<2048x20xi1>
    %broadcast_in_dim3A_108 = vector.broadcast %jit3A_105 : f32 to vector<2048x20xf32>
    %select_n3A_109 = arith.select %broadcast_in_dim3A_107, %dot_general3A_96, %broadcast_in_dim3A_108 : vector<2048x20xi1>, vector<2048x20xf32>
    %add3A_110 = arith.addf %add3A_91, %select_n3A_109 : vector<2048x20xf32>
    %eq3A_111 = arith.constant 3 : i32
    %eq3A_112 = vector.broadcast %eq3A_111 : i32 to vector<2048x1xi32>
    %eq3A_113 = arith.cmpi eq, %slice3A_8, %eq3A_112 : vector<2048x1xi32>
    %jit3A_114 = arith.constant 0.000000e+00 : f32
    %broadcast_in_dim3A_115 = vector.shape_cast %eq3A_113 : vector<2048x1xi1> to vector<2048x1xi1>
    %broadcast_in_dim3A_116 = vector.broadcast %broadcast_in_dim3A_115 : vector<2048x1xi1> to vector<2048x20xi1>
    %broadcast_in_dim3A_117 = vector.broadcast %jit3A_114 : f32 to vector<2048x20xf32>
    %select_n3A_118 = arith.select %broadcast_in_dim3A_116, %dot_general3A_101, %broadcast_in_dim3A_117 : vector<2048x20xi1>, vector<2048x20xf32>
    %add3A_119 = arith.addf %add3A_110, %select_n3A_118 : vector<2048x20xf32>
    %get3A_120 = arith.constant 400 : index
    %get3A_121 = arith.constant 0 : index
    %get3A_122 = vector.load %arg3[%get3A_120, %get3A_121] : memref<500x20xf32, #tpu.memory_space<vmem>>, vector<100x20xf32>
    %dot_general3A_123 = arith.constant dense<0.000000e+00> : vector<2048x20xf32>
    %dot_general3A_124 = tpu.matmul %get3A_1, %get3A_122, %dot_general3A_123 {dimension_numbers = #tpu.dot_dimension_numbers<[1], [0], [0], [1], [0, 0, 1, 1], [], []>, transpose_lhs_hint = false} : vector<2048x100xf32>, vector<100x20xf32>, vector<2048x20xf32> -> vector<2048x20xf32>
    %get3A_125 = arith.constant 400 : index
    %get3A_126 = arith.constant 0 : index
    %get3A_127 = vector.load %arg4[%get3A_125, %get3A_126] : memref<500x20xf32, #tpu.memory_space<vmem>>, vector<100x20xf32>
    %dot_general3A_128 = arith.constant dense<0.000000e+00> : vector<2048x20xf32>
    %dot_general3A_129 = tpu.matmul %get3A_4, %get3A_127, %dot_general3A_128 {dimension_numbers = #tpu.dot_dimension_numbers<[1], [0], [0], [1], [0, 0, 1, 1], [], []>, transpose_lhs_hint = false} : vector<2048x100xf32>, vector<100x20xf32>, vector<2048x20xf32> -> vector<2048x20xf32>
    %eq3A_130 = arith.constant 4 : i32
    %eq3A_131 = vector.broadcast %eq3A_130 : i32 to vector<2048x1xi32>
    %eq3A_132 = arith.cmpi eq, %slice3A, %eq3A_131 : vector<2048x1xi32>
    %jit3A_133 = arith.constant 0.000000e+00 : f32
    %broadcast_in_dim3A_134 = vector.shape_cast %eq3A_132 : vector<2048x1xi1> to vector<2048x1xi1>
    %broadcast_in_dim3A_135 = vector.broadcast %broadcast_in_dim3A_134 : vector<2048x1xi1> to vector<2048x20xi1>
    %broadcast_in_dim3A_136 = vector.broadcast %jit3A_133 : f32 to vector<2048x20xf32>
    %select_n3A_137 = arith.select %broadcast_in_dim3A_135, %dot_general3A_124, %broadcast_in_dim3A_136 : vector<2048x20xi1>, vector<2048x20xf32>
    %add3A_138 = arith.addf %add3A_119, %select_n3A_137 : vector<2048x20xf32>
    %eq3A_139 = arith.constant 4 : i32
    %eq3A_140 = vector.broadcast %eq3A_139 : i32 to vector<2048x1xi32>
    %eq3A_141 = arith.cmpi eq, %slice3A_8, %eq3A_140 : vector<2048x1xi32>
    %jit3A_142 = arith.constant 0.000000e+00 : f32
    %broadcast_in_dim3A_143 = vector.shape_cast %eq3A_141 : vector<2048x1xi1> to vector<2048x1xi1>
    %broadcast_in_dim3A_144 = vector.broadcast %broadcast_in_dim3A_143 : vector<2048x1xi1> to vector<2048x20xi1>
    %broadcast_in_dim3A_145 = vector.broadcast %jit3A_142 : f32 to vector<2048x20xf32>
    %select_n3A_146 = arith.select %broadcast_in_dim3A_144, %dot_general3A_129, %broadcast_in_dim3A_145 : vector<2048x20xi1>, vector<2048x20xf32>
    %add3A_147 = arith.addf %add3A_138, %select_n3A_146 : vector<2048x20xf32>
    %logistic3A = arith.negf %add3A_147 : vector<2048x20xf32>
    %logistic3A_148 = math.exp %logistic3A : vector<2048x20xf32>
    %logistic3A_149 = arith.constant 1.000000e+00 : f32
    %logistic3A_150 = vector.broadcast %logistic3A_149 : f32 to vector<2048x20xf32>
    %logistic3A_151 = arith.addf %logistic3A_150, %logistic3A_148 : vector<2048x20xf32>
    %logistic3A_152 = arith.divf %logistic3A_150, %logistic3A_151 : vector<2048x20xf32>
    %get3A_153 = arith.constant 0 : index
    %get3A_154 = arith.constant 0 : index
    %get3A_155 = vector.load %arg6[%get3A_153, %get3A_154] : memref<1x20xf32, #tpu.memory_space<vmem>>, vector<1x20xf32>
    %mul3A = vector.broadcast %get3A_155 : vector<1x20xf32> to vector<2048x20xf32>
    %mul3A_156 = arith.mulf %logistic3A_152, %mul3A : vector<2048x20xf32>
    %reduce_sum3A = arith.constant dense<0.000000e+00> : vector<2048xf32>
    %reduce_sum3A_157 = vector.multi_reduction <add>, %mul3A_156, %reduce_sum3A [1] : vector<2048x20xf32> to vector<2048xf32>
    %broadcast_in_dim3A_158 = vector.shape_cast %reduce_sum3A_157 : vector<2048xf32> to vector<2048x1xf32>
    %get3A_159 = arith.constant 0 : index
    %get3A_160 = arith.constant 0 : index
    %get3A_161 = vector.load %arg7[%get3A_159, %get3A_160] : memref<1x1xf32, #tpu.memory_space<vmem>>, vector<1x1xf32>
    %add3A_162 = vector.broadcast %get3A_161 : vector<1x1xf32> to vector<2048x1xf32>
    %add3A_163 = arith.addf %broadcast_in_dim3A_158, %add3A_162 : vector<2048x1xf32>
    %logistic3A_164 = arith.negf %add3A_163 : vector<2048x1xf32>
    %logistic3A_165 = math.exp %logistic3A_164 : vector<2048x1xf32>
    %logistic3A_166 = arith.constant 1.000000e+00 : f32
    %logistic3A_167 = vector.broadcast %logistic3A_166 : f32 to vector<2048x1xf32>
    %logistic3A_168 = arith.addf %logistic3A_167, %logistic3A_165 : vector<2048x1xf32>
    %logistic3A_169 = arith.divf %logistic3A_167, %logistic3A_168 : vector<2048x1xf32>
    %swap3A = arith.constant 0 : index
    %swap3A_170 = arith.constant 0 : index
    %swap3A_171 = vector.load %arg8[%swap3A, %swap3A_170] : memref<2048x1xf32, #tpu.memory_space<vmem>>, vector<2048x1xf32>
    tpu.vector_store %arg8[%swap3A, %swap3A_170], %logistic3A_169 {strides = array<i32>} : memref<2048x1xf32, #tpu.memory_space<vmem>>, vector<2048x1xf32>,
    return
  }
  func.func @transform_0(%arg0: i32) -> (i32, i32) {
    %c0_i32 = arith.constant 0 : i32
    %c0_i32_0 = arith.constant 0 : i32
    return %arg0, %c0_i32 : i32, i32
  }
  func.func @transform_1(%arg0: i32) -> (i32, i32) {
    %c0_i32 = arith.constant 0 : i32
    %c0_i32_0 = arith.constant 0 : i32
    return %arg0, %c0_i32 : i32, i32
  }
  func.func @transform_2(%arg0: i32) -> (i32, i32) {
    %c0_i32 = arith.constant 0 : i32
    %c0_i32_0 = arith.constant 0 : i32
    %c0_i32_1 = arith.constant 0 : i32
    return %c0_i32, %c0_i32_0 : i32, i32
  }
  func.func @transform_3(%arg0: i32) -> (i32, i32) {
    %c0_i32 = arith.constant 0 : i32
    %c0_i32_0 = arith.constant 0 : i32
    %c0_i32_1 = arith.constant 0 : i32
    return %c0_i32, %c0_i32_0 : i32, i32
  }
  func.func @transform_4(%arg0: i32) -> (i32, i32) {
    %c0_i32 = arith.constant 0 : i32
    %c0_i32_0 = arith.constant 0 : i32
    %c0_i32_1 = arith.constant 0 : i32
    return %c0_i32, %c0_i32_0 : i32, i32
  }
  func.func @transform_5(%arg0: i32) -> (i32, i32) {
    %c0_i32 = arith.constant 0 : i32
    %c0_i32_0 = arith.constant 0 : i32
    %c0_i32_1 = arith.constant 0 : i32
    return %c0_i32, %c0_i32_0 : i32, i32
  }
  func.func @transform_6(%arg0: i32) -> (i32, i32) {
    %c0_i32 = arith.constant 0 : i32
    %c0_i32_0 = arith.constant 0 : i32
    %c0_i32_1 = arith.constant 0 : i32
    return %c0_i32, %c0_i32_0 : i32, i32
  }
  func.func @transform_7(%arg0: i32) -> (i32, i32) {
    %c0_i32 = arith.constant 0 : i32
    %c0_i32_0 = arith.constant 0 : i32
    return %arg0, %c0_i32 : i32, i32
  }
}

</mosaic_0001>

<sc_bundles>
// kernel: kernel.4.cloned.1.call-start
scs
__scs_entry_jumppad:
0x0: {  	(pc) =	sbr.rel $0x88, $3  }
0x1: {  	(tag) =	ssettag $0x0;
	lr =	simm.s32 $0x1  }
0x2: {  	[smem:$0x3F9B] =	sst lr;
	_ =	strace $0xD0000000  }
0x3: {  	_ = 	snop  }
0x4: {  	_ = 	snop  }
0x5: {  	_ = 	snop  }
0x6: {  	_ = 	snop  }
0x7: {  	_ = 	snop  }
__scs_overlays_trampoline_lowered:
0x8: {  	[smem:$0x3FAA] =	sst s0  }
0x9: {  	[smem:$0x3FAB] =	sst s1  }
0xa: {  	[smem:$0x3FAC] =	sst s2  }
0xb: {  	[smem:$0x3FAD] =	sst s3  }
0xc: {  	[smem:$0x3FAE] =	sst s4  }
0xd: {  	[smem:$0x3FAF] =	sst s5  }
0xe: {  	[smem:$0x3FB0] =	sst s6  }
0xf: {  	[smem:$0x3FB1] =	sst s7  }
0x10: {  	[smem:$0x3FB2] =	sst s8  }
0x11: {  	[smem:$0x3FB3] =	sst s9;
	s0 =	simm.s32 @!p0 $0x0  }
0x12: {  	s1 =	sld [smem:$0x3F99];
	s0 =	simm.s32 @p0 $0x1  }
0x13: {  	[smem:$0x3FB4] =	sst s0;
	s0 =	simm.s32 @!p1 $0x0  }
0x14: {  	s2 =	sld [smem:$0x3F98];
	s0 =	simm.s32 @p1 $0x1  }
0x15: {  	[smem:$0x3FB5] =	sst s0;
	s0 =	simm.s32 @!p2 $0x0  }
0x16: {  	s3 =	sld [smem:$0x3FDB];
	s0 =	simm.s32 @p2 $0x1  }
0x17: {  	s4 =	simm.s32 $0x1BF5;
	[smem:$0x3FB7] =	sst s0  }
0x18: {  	s0 =	sld [smem:$0x3F9A];
	_ =	swait.ge [sflag:s4], $0x0  }
0x19: {  	s7 =	sld [smem:$0x3F9B]  }
0x1a: {  	s8 =	sadd.s32 $0xFFFFE003, lr  }
0x1b: {  	s9 =	sadd.s32 $0xFFFFFEF7, lr;
	s5 =	simm.s32 $0xFFFFFFFF;
	p2 =	slt.u32 s8, $0xFFFFF086  }
0x1c: {  	p1 =	slt.u32 s9, $0xF7A;
	s5 =	simm.s32 @!p2 $0x0  }
0x1d: {  	s5 =	simm.s32 @p1 $0x1;
	p0 =	seq.s32 s7, s2  }
0x1e: {  	s7 =	smul.u32 @!p0 $0xF7A, s2;
	p2 =	seq.s32 @!p0 s5, $0x0  }
0x1f: {  	s9 =	smul.u32 $0xF7A, s1;
	s8 =	simm.s32 @!p0 $0x1BF5;
	p2 =	por !p2, p0  }
0x20: {  	[sflag:s8] =	ssyncset.s32 @!p0 $0xFFFFF086;
	s6 =	sadd.s32 @!p0 s3, s7;
	s7 =	simm.s32 @!p0 $0x108  }
0x21: {  	s3 =	sadd.s32 s3, s9;
	s6 =	sadd.s32 @!p0 $0x88, s6;
	s7 =	simm.s32 @p2 $0x1082  }
0x22: {  	[simem:s7], [sflag:s8] =	dma.local @!p0 [hbm:s6], $0xF7A  }
0x23: {  	s9 =	sor.u32 $0xD0000000, s2;
	s6 =	simm.s32 $0x108;
	_ =	swait.ge @!p0 [sflag:s8], $0x0  }
0x24: {  	s3 =	sadd.s32 $0x88, s3;
	s6 =	simm.s32 @!p1 $0x1082;
	[sflag:s4] =	ssyncset.s32 $0xFFFFF086  }
0x25: {  	[simem:s6], [sflag:s4] =	dma.local [hbm:s3], $0xF7A  }
0x26: {  	[smem:$0x3F9B] =	sst s1;
	(tag) =	ssettag s2;
	_ =	strace s9  }
0x27: {  	s1 =	sld [smem:$0x3FAB]  }
0x28: {  	s2 =	sld [smem:$0x3FAC]  }
0x29: {  	s4 =	sld [smem:$0x3FAE]  }
0x2a: {  	p0 =	seq.s32 s5, $0x0;
	s5 =	sld [smem:$0x3FAF]  }
0x2b: {  	s6 =	sld [smem:$0x3FB0]  }
0x2c: {  	s7 =	sld [smem:$0x3FB1]  }
0x2d: {  	s3 =	simm.s32 $0x108;
	s8 =	sld [smem:$0x3FB2]  }
0x2e: {  	s3 =	simm.s32 @!p0 $0x1082;
	s9 =	sld [smem:$0x3FB3]  }
0x2f: {  	lr =	sadd.s32 s0, s3;
	s0 =	sld [smem:$0x3FAA]  }
0x30: {  	s3 =	sld [smem:$0x3FAD]  }
0x31: {  	[smem:$0x3FB6] =	sst s10  }
0x32: {  	s10 =	sld [smem:$0x3FB4];
	_ =	sdelay $0x3  }
0x33: {  	p0 =	seq.s32 s10, $0x1;
	s10 =	sld [smem:$0x3FB6];
	_ =	sdelay $0x3  }
0x34: {  	[smem:$0x3FB6] =	sst s10  }
0x35: {  	s10 =	sld [smem:$0x3FB5];
	_ =	sdelay $0x3  }
0x36: {  	p1 =	seq.s32 s10, $0x1;
	s10 =	sld [smem:$0x3FB6];
	_ =	sdelay $0x3  }
0x37: {  	[smem:$0x3FB6] =	sst s10  }
0x38: {  	s10 =	sld [smem:$0x3FB7]  }
0x39: {  	_ = 	snop;
	(pc) =	sbr.ind lr, $3  }
0x3a: {  	_ = 	snop  }
0x3b: {  	_ = 	snop  }
0x3c: {  	p2 =	seq.s32 s10, $0x1;
	s10 =	sld [smem:$0x3FB6]  }
0x3d: {  	_ =	shalt  }
0x3e: {  	_ =	shalt  }
0x3f: {  	_ =	shalt  }
0x40: {  	_ =	shalt  }
0x41: {  	_ =	shalt  }
0x42: {  	_ =	shalt  }
0x43: {  	_ =	shalt  }
0x44: {  	_ =	shalt  }
0x45: {  	_ =	shalt  }
0x46: {  	_ =	shalt  }
0x47: {  	_ =	shalt  }
0x48: {  	_ =	shalt  }
0x49: {  	_ =	shalt  }
0x4a: {  	_ =	shalt  }
0x4b: {  	_ =	shalt  }
0x4c: {  	_ =	shalt  }
0x4d: {  	_ =	shalt  }
0x4e: {  	_ =	shalt  }
0x4f: {  	_ =	shalt  }
0x50: {  	_ =	shalt  }
0x51: {  	_ =	shalt  }
0x52: {  	_ =	shalt  }
0x53: {  	_ =	shalt  }
0x54: {  	_ =	shalt  }
0x55: {  	_ =	shalt  }
0x56: {  	_ =	shalt  }
0x57: {  	_ =	shalt  }
0x58: {  	_ =	shalt  }
0x59: {  	_ =	shalt  }
0x5a: {  	_ =	shalt  }
0x5b: {  	_ =	shalt  }
0x5c: {  	_ =	shalt  }
0x5d: {  	_ =	shalt  }
0x5e: {  	_ =	shalt  }
0x5f: {  	_ =	shalt  }
0x60: {  	_ =	shalt  }
0x61: {  	_ =	shalt  }
0x62: {  	_ =	shalt  }
0x63: {  	_ =	shalt  }
0x64: {  	_ =	shalt  }
0x65: {  	_ =	shalt  }
0x66: {  	_ =	shalt  }
0x67: {  	_ =	shalt  }
0x68: {  	_ =	shalt  }
0x69: {  	_ =	shalt  }
0x6a: {  	_ =	shalt  }
0x6b: {  	_ =	shalt  }
0x6c: {  	_ =	shalt  }
0x6d: {  	_ =	shalt  }
0x6e: {  	_ =	shalt  }
0x6f: {  	_ =	shalt  }
0x70: {  	_ =	shalt  }
0x71: {  	_ =	shalt  }
0x72: {  	_ =	shalt  }
0x73: {  	_ =	shalt  }
0x74: {  	_ =	shalt  }
0x75: {  	_ =	shalt  }
0x76: {  	_ =	shalt  }
0x77: {  	_ =	shalt  }
0x78: {  	_ =	shalt  }
0x79: {  	_ =	shalt  }
0x7a: {  	_ =	shalt  }
0x7b: {  	_ =	shalt  }
0x7c: {  	_ =	shalt  }
0x7d: {  	_ =	shalt  }
0x7e: {  	_ =	shalt  }
0x7f: {  	_ =	shalt  }
0x80: {  	_ =	shalt  }
0x81: {  	_ =	shalt  }
0x82: {  	_ =	shalt  }
0x83: {  	_ =	shalt  }
0x84: {  	_ =	shalt  }
0x85: {  	_ =	shalt  }
0x86: {  	_ =	shalt  }
0x87: {  	_ =	shalt  }
.Lfunc_end0:
.L_simem_size_0:
called_computation_lowered:
.L_overlay_start_0:
0x88: {  	s2 =	sld [smem:$0x3FD9]  }
0x89: {  	s3 =	sld [smem:$0x3FFE];
	_ =	sdelay $0x1  }
0x8a: {  	s1 =	srdreg.scid  }
0x8b: {  	s0 =	sand.u32 $0x1, s1  }
0x8c: {  	s16 =	sshll.u32 s0, $0xA;
	s2 =	sadd.s32 s3, s2  }
0x8d: {  	s2 =	sadd.s32 s2, s16  }
0x8e: {  	[smem:$0x3FC2] =	sst s2  }
0x8f: {  	_ = 	snop  }
0x90: {  	(tm) =	ssettm $0x1  }
0x91: {  	s17 =	sld [smem:$0x3FFB];
	_ =	sdelay $0x3  }
0x92: {  	_ =	strace s17  }
0x93: {  	s2 =	sld [smem:$0x3FFC];
	_ =	sdelay $0x3  }
0x94: {  	_ =	strace s2  }
0x95: {  	s2 =	sld [smem:$0x3FFD];
	_ =	sdelay $0x3  }
0x96: {  	_ =	strace s2  }
0x97: {  	_ =	strace $0x8FFFFFFF  }
0x98: {  	s18 =	sld [smem:$0x3FDB];
	_ =	sdelay $0x1  }
0x99: {  	s19 =	simm.s32 $_scs_section_size  }
0x9a: {  	s4 =	simm.s32 $_size__tile_overlayer_lowered;
	s5 =	simm.s32 $_tile_overlayer_lowered  }
0x9b: {  	s22 =	simm.s32 $0x1BFF;
	s21 =	sshll.u32 s5, $0x1;
	s2 =	sadd.s32 s19, s18  }
0x9c: {  	s6 =	simm.s32 $0x0;
	s20 =	sshll.u32 s4, $0x1;
	s4 =	sadd.s32 s21, s2  }
0x9d: {  	[timem:s6], [sflag:s22] =	dma.local [hbm:s4], s20  }
0x9e: {  	_ =	swait.ge [sflag:s22], s20  }
0x9f: {  	s3 =	ssub.s32 $0x0, s20;
	[sflag:s22] =	ssyncset.done $0x0  }
0xa0: {  	[sflag:s22] =	ssyncadd.s32 s3;
	_ =	sdelay $0x1  }
0xa1: {  	s23 =	simm.s32 $0x1B8B  }
0xa2: {  	_ =	swait.ge [sflag:s23], $0x1  }
0xa3: {  	[sflag:s23] =	ssyncset.done $0x0  }
0xa4: {  	s25 =	simm.s32 $0x1B8E;
	s24 =	sld [smem:$0x3FFE];
	[sflag:s23] =	ssyncadd.s32 $0xFFFFFFFF  }
0xa5: {  	s26 =	simm.s32 $execute0_lowered;
	[smem:$0x3FD2] =	sst s25  }
0xa6: {  	s4 =	sshll.u32 s26, $0x1;
	_ =	strace $0x80000046;
	[dreg:$0x1] =	wrdreg $0xFFFFFFFF  }
0xa7: {  	s28 =	simm.s32 $_size_execute0_lowered;
	s2 =	sadd.s32 s2, s4;
	[dreg:$0x0] =	wrdreg $0x0  }
0xa8: {  	s4 =	sshll.u32 s28, $0x1;
	[dreg:$0x2] =	wrdreg s2  }
0xa9: {  	[dreg:$0x3] =	wrdreg s4  }
0xaa: {  	[dreg:$0x4] =	wrdreg $0xC0  }
0xab: {  	_ =	task [dreg:s6], $0x5FFFF  }
0xac: {  	[dreg:$0x1] =	wrdreg $0xFFFFFFFF  }
0xad: {  	[dreg:$0x0] =	wrdreg $0x60  }
0xae: {  	[dreg:$0x2] =	wrdreg s24  }
0xaf: {  	[dreg:$0x3] =	wrdreg $0x9  }
0xb0: {  	_ =	task.clear_ibuf [dreg:s6], $0x4FFFF;
	_ =	strace $0x90000046  }
0xb1: {  	s29 =	simm.s32 $0x9;
	_ =	strace $0x80000048  }
0xb2: {  	_ =	swait.ge [sflag:s29], $0x1  }
0xb3: {  	[sflag:s29] =	ssyncadd.s32 $0xFFFFFFFF  }
0xb4: {  	_ =	strace $0x90000048  }
0xb5: {  	_ =	sfence  }
0xb6: {  	s30 =	sld [smem:$0x0];
	_ =	sdelay $0x2  }
0xb7: {  	s31 =	sshll.u32 s1, $0xD;
	s1 =	sshrl.u32 s1, $0x2  }
0xb8: {  	s3 =	sand.u32 $0x4000, s31;
	s1 =	sadd.s32 s1, s30  }
0xb9: {  	s0 =	sor.u32 s3, s0;
	s1 =	sshll.u32 s1, $0x11  }
0xba: {  	s0 =	sor.u32 s1, s0  }
0xbb: {  	s0 =	sadd.s32 $0x8F2B, s0  }
0xbc: {  	[sflag:s0] =	ssyncadd.remote.s32 $0x1  }
0xbd: {  	_ =	sfence.sel $0xFFFF  }
0xbe: {  	[dreg:$0x0] =	wrdreg $0xFFFFFFFF;
	(pc) =	sbr.abs _section_cstart, $3  }
0xbf: {  	[dreg:$0x1] =	wrdreg $0xFFFFFFFF  }
0xc0: {  	_ =	task.clear_ibuf [dreg:s6], $0x2FFFF;
	_ =	strace $0x9FFFFFFF  }
0xc1: {  	(tm) =	ssettm $0x7FFFFFFF  }
tec
execute0_lowered:
.L_overlay_start_1:
0x0: {  	(tag) =	ssettag $0x1  }
0x1: {  	s17 =	rddreg [dreg:$0x0];
	s1 =	simm.s32 $0x0  }
0x2: {  	v0 =	vimm.s32 $0x0;
	[smem:$0x7FF] =	sst s1  }
0x3: {  	s0 =	rddreg [dreg:$0x1];
	_ =	strace $0x80000047;
	[tilespmem:$0xC20] =	vst v0  }
0x4: {  	[tilespmem:$0xC30] =	vst v0  }
0x5: {  	[tilespmem:$0xC40] =	vst v0  }
0x6: {  	[tilespmem:$0xC50] =	vst v0  }
0x7: {  	[tilespmem:$0xC60] =	vst v0  }
0x8: {  	[tilespmem:$0xC70] =	vst v0  }
0x9: {  	[tilespmem:$0xC80] =	vst v0  }
0xa: {  	[tilespmem:$0xC00] =	vst v0  }
0xb: {  	s3 =	srdreg.scid;
	s2 =	stileid.u32;
	[tilespmem:$0xCF0] =	vst v0  }
0xc: {  	s28 =	sand.u32 $0x1, s3;
	s31 =	sshll.u32 s2, $0x1;
	[tilespmem:$0xCE0] =	vst v0  }
0xd: {  	s18 =	sor.u32 s28, s31;
	[tilespmem:$0xCD0] =	vst v0  }
0xe: {  	[tilespmem:$0xCC0] =	vst v0;
	s3 =	smul.u32 $0x1800, s18  }
0xf: {  	[tilespmem:$0xCB0] =	vst v0  }
0x10: {  	[tilespmem:$0xCA0] =	vst v0;
	s3 =	sshrl.u32 s3, $0x3  }
0x11: {  	[tilespmem:$0xC90] =	vst v0;
	s24 =	sadd.s32 s3, s17  }
0x12: {  	[tilespmem:$0xC10] =	vst v0;
	s3 =	simm.s32 $0x2;
	s4 =	sadd.s32 $0x31FE00, s24  }
0x13: {  	[tilespmem:s1], [sflag:$0x2] =	stream.linear.gather [hbm4b:s4+s1], $0x300, $0x38;
	[tilespmem:$0x12D00] =	vst v63  }
0x14: {  	_ =	swait.ge [sflag:s3], $0x300  }
0x15: {  	[sflag:s3] =	ssyncset.done $0x0  }
0x16: {  	s6 =	simm.s32 $0x300;
	s5 =	sadd.s32 $0x31FE60, s24;
	[sflag:s3] =	ssyncadd.s32 $0xFFFFFD00  }
0x17: {  	[tilespmem:s6], [sflag:$0x2] =	stream.linear.gather [hbm4b:s5+s1], $0x300, $0x38;
	[tilespmem:$0x12D00] =	vst v63  }
0x18: {  	_ =	swait.ge [sflag:s3], $0x300  }
0x19: {  	[sflag:s3] =	ssyncset.done $0x0  }
0x1a: {  	s8 =	simm.s32 $0x600;
	s7 =	sadd.s32 $0x31FEC0, s24;
	[sflag:s3] =	ssyncadd.s32 $0xFFFFFD00  }
0x1b: {  	[tilespmem:s8], [sflag:$0x2] =	stream.linear.gather [hbm4b:s7+s1], $0x300, $0x38;
	[tilespmem:$0x12D00] =	vst v63  }
0x1c: {  	_ =	swait.ge [sflag:s3], $0x300  }
0x1d: {  	[sflag:s3] =	ssyncset.done $0x0  }
0x1e: {  	s10 =	simm.s32 $0x900;
	s9 =	sadd.s32 $0x31FF20, s24;
	[sflag:s3] =	ssyncadd.s32 $0xFFFFFD00  }
0x1f: {  	[tilespmem:s10], [sflag:$0x2] =	stream.linear.gather [hbm4b:s9+s1], $0x300, $0x38;
	[tilespmem:$0x12D00] =	vst v63  }
0x20: {  	_ =	swait.ge [sflag:s3], $0x300  }
0x21: {  	[sflag:s3] =	ssyncset.done $0x0  }
0x22: {  	s12 =	simm.s32 $0xD00;
	s11 =	sadd.s32 $0x43600, s17;
	[sflag:s3] =	ssyncadd.s32 $0xFFFFFD00  }
0x23: {  	[tilespmem:s12], [sflag:$0x1] =	stream.indirect.gather [hbm4b:s11+s6], $0x14, s1, s6, $0xb8;
	[tilespmem:$0x12D00] =	vst v63  }
0x24: {  	s13 =	simm.s32 $0x5500  }
0x25: {  	[tilespmem:s13], [sflag:$0x1] =	stream.indirect.gather [hbm4b:s11+s6], $0x14, s6, s6, $0xb8;
	[tilespmem:$0x12D00] =	vst v63  }
0x26: {  	s14 =	simm.s32 $0x9D00  }
0x27: {  	[tilespmem:s14], [sflag:$0x1] =	stream.indirect.gather [hbm4b:s11+s6], $0x14, s8, s6, $0xb8;
	[tilespmem:$0x12D00] =	vst v63  }
0x28: {  	s15 =	simm.s32 $0xE500;
	s16 =	simm.s32 $0x1  }
0x29: {  	[tilespmem:s15], [sflag:$0x1] =	stream.indirect.gather [hbm4b:s11+s6], $0x14, s10, s6, $0xb8;
	[tilespmem:$0x12D00] =	vst v63  }
0x2a: {  	_ =	swait.ge [sflag:s16], $0x3C00  }
0x2b: {  	[sflag:s16] =	ssyncset.done $0x0  }
0x2c: {  	[sflag:s16] =	ssyncadd.s32 $0xFFFFC400  }
0x2d: {  	_ =	swait.ge [sflag:s16], $0x3C00  }
0x2e: {  	[sflag:s16] =	ssyncset.done $0x0  }
0x2f: {  	[sflag:s16] =	ssyncadd.s32 $0xFFFFC400  }
0x30: {  	_ =	swait.ge [sflag:s16], $0x3C00  }
0x31: {  	[sflag:s16] =	ssyncset.done $0x0  }
0x32: {  	[sflag:s16] =	ssyncadd.s32 $0xFFFFC400  }
0x33: {  	s19 =	smul.u32 $0x3C00, s18;
	_ =	swait.ge [sflag:s16], $0x3C00  }
0x34: {  	s20 =	sadd.s32 $0x325E00, s17;
	[sflag:s16] =	ssyncset.done $0x0  }
0x35: {  	s18 =	smul.u32 $0x1E000, s18;
	s17 =	sadd.s32 s20, s19;
	[sflag:s16] =	ssyncadd.s32 $0xFFFFC400  }
0x36: {  	[hbm4b:s17+s1] =	stream.linear.scatter [tilespmem:s12], [sflag:$0x2], $0x3C00, $0x38;
	[tilespmem:$0x12D00] =	vst v63  }
0x37: {  	s18 =	sshrl.u32 s18, $0x3;
	_ =	swait.ge [sflag:s3], $0x3C00  }
0x38: {  	s29 =	sadd.s32 s20, s18;
	[sflag:s3] =	ssyncset.done $0x0  }
0x39: {  	s18 =	sadd.s32 $0x780, s29;
	[sflag:s3] =	ssyncadd.s32 $0xFFFFC400  }
0x3a: {  	[hbm4b:s18+s1] =	stream.linear.scatter [tilespmem:s13], [sflag:$0x2], $0x3C00, $0x38;
	[tilespmem:$0x12D00] =	vst v63  }
0x3b: {  	_ =	swait.ge [sflag:s3], $0x3C00  }
0x3c: {  	[sflag:s3] =	ssyncset.done $0x0  }
0x3d: {  	s19 =	sadd.s32 $0xF00, s29;
	[sflag:s3] =	ssyncadd.s32 $0xFFFFC400  }
0x3e: {  	[hbm4b:s19+s1] =	stream.linear.scatter [tilespmem:s14], [sflag:$0x2], $0x3C00, $0x38;
	[tilespmem:$0x12D00] =	vst v63  }
0x3f: {  	_ =	swait.ge [sflag:s3], $0x3C00  }
0x40: {  	[sflag:s3] =	ssyncset.done $0x0  }
0x41: {  	s20 =	sadd.s32 $0x1680, s29;
	[sflag:s3] =	ssyncadd.s32 $0xFFFFC400  }
0x42: {  	[hbm4b:s20+s1] =	stream.linear.scatter [tilespmem:s15], [sflag:$0x2], $0x3C00, $0x38;
	[tilespmem:$0x12D00] =	vst v63  }
0x43: {  	_ =	swait.ge [sflag:s3], $0x3C00  }
0x44: {  	[sflag:s3] =	ssyncset.done $0x0  }
0x45: {  	s21 =	sadd.s32 $0x31FF80, s24;
	[sflag:s3] =	ssyncadd.s32 $0xFFFFC400  }
0x46: {  	[tilespmem:s1], [sflag:$0x2] =	stream.linear.gather [hbm4b:s21+s1], $0x300, $0x38;
	[tilespmem:$0x12D00] =	vst v63  }
0x47: {  	_ =	swait.ge [sflag:s3], $0x300  }
0x48: {  	[sflag:s3] =	ssyncset.done $0x0  }
0x49: {  	s22 =	sadd.s32 $0x31FFE0, s24;
	[sflag:s3] =	ssyncadd.s32 $0xFFFFFD00  }
0x4a: {  	[tilespmem:s6], [sflag:$0x2] =	stream.linear.gather [hbm4b:s22+s1], $0x300, $0x38;
	[tilespmem:$0x12D00] =	vst v63  }
0x4b: {  	_ =	swait.ge [sflag:s3], $0x300  }
0x4c: {  	[sflag:s3] =	ssyncset.done $0x0  }
0x4d: {  	s23 =	sadd.s32 $0x320040, s24;
	[sflag:s3] =	ssyncadd.s32 $0xFFFFFD00  }
0x4e: {  	[tilespmem:s8], [sflag:$0x2] =	stream.linear.gather [hbm4b:s23+s1], $0x300, $0x38;
	[tilespmem:$0x12D00] =	vst v63  }
0x4f: {  	_ =	swait.ge [sflag:s3], $0x300  }
0x50: {  	[sflag:s3] =	ssyncset.done $0x0  }
0x51: {  	s24 =	sadd.s32 $0x3200A0, s24;
	[sflag:s3] =	ssyncadd.s32 $0xFFFFFD00  }
0x52: {  	[tilespmem:s10], [sflag:$0x2] =	stream.linear.gather [hbm4b:s24+s1], $0x300, $0x38;
	[tilespmem:$0x12D00] =	vst v63  }
0x53: {  	_ =	swait.ge [sflag:s3], $0x300  }
0x54: {  	[sflag:s3] =	ssyncset.done $0x0  }
0x55: {  	[sflag:s3] =	ssyncadd.s32 $0xFFFFFD00  }
0x56: {  	[tilespmem:s12], [sflag:$0x1] =	stream.indirect.gather [hbm4b:s11+s6], $0x14, s1, s6, $0xb8;
	[tilespmem:$0x12D00] =	vst v63  }
0x57: {  	_ = 	snop  }
0x58: {  	[tilespmem:s13], [sflag:$0x1] =	stream.indirect.gather [hbm4b:s11+s6], $0x14, s6, s6, $0xb8;
	[tilespmem:$0x12D00] =	vst v63  }
0x59: {  	_ = 	snop  }
0x5a: {  	[tilespmem:s14], [sflag:$0x1] =	stream.indirect.gather [hbm4b:s11+s6], $0x14, s8, s6, $0xb8;
	[tilespmem:$0x12D00] =	vst v63  }
0x5b: {  	_ = 	snop  }
0x5c: {  	[tilespmem:s15], [sflag:$0x1] =	stream.indirect.gather [hbm4b:s11+s6], $0x14, s10, s6, $0xb8;
	[tilespmem:$0x12D00] =	vst v63  }
0x5d: {  	_ =	swait.ge [sflag:s16], $0x3C00  }
0x5e: {  	[sflag:s16] =	ssyncset.done $0x0  }
0x5f: {  	[sflag:s16] =	ssyncadd.s32 $0xFFFFC400  }
0x60: {  	_ =	swait.ge [sflag:s16], $0x3C00  }
0x61: {  	[sflag:s16] =	ssyncset.done $0x0  }
0x62: {  	[sflag:s16] =	ssyncadd.s32 $0xFFFFC400  }
0x63: {  	_ =	swait.ge [sflag:s16], $0x3C00  }
0x64: {  	[sflag:s16] =	ssyncset.done $0x0  }
0x65: {  	[sflag:s16] =	ssyncadd.s32 $0xFFFFC400  }
0x66: {  	_ =	swait.ge [sflag:s16], $0x3C00  }
0x67: {  	[sflag:s16] =	ssyncset.done $0x0  }
0x68: {  	s25 =	sadd.s32 $0x1E00, s29;
	[sflag:s16] =	ssyncadd.s32 $0xFFFFC400  }
0x69: {  	[hbm4b:s25+s1] =	stream.linear.scatter [tilespmem:s12], [sflag:$0x2], $0x3C00, $0x38;
	[tilespmem:$0x12D00] =	vst v63  }
0x6a: {  	_ =	swait.ge [sflag:s3], $0x3C00  }
0x6b: {  	[sflag:s3] =	ssyncset.done $0x0  }
0x6c: {  	s30 =	ssub.s32 $0x2, s28;
	s26 =	sadd.s32 $0x2580, s29;
	[sflag:s3] =	ssyncadd.s32 $0xFFFFC400  }
0x6d: {  	[hbm4b:s26+s1] =	stream.linear.scatter [tilespmem:s13], [sflag:$0x2], $0x3C00, $0x38;
	[tilespmem:$0x12D00] =	vst v63  }
0x6e: {  	s31 =	sshrl.u32 s30, $0x1;
	_ =	swait.ge [sflag:s3], $0x3C00  }
0x6f: {  	s30 =	ssub.s32 s30, s31;
	[sflag:s3] =	ssyncset.done $0x0  }
0x70: {  	s30 =	smax.u32 s30, $0x1;
	s28 =	sadd.s32 $0x2D00, s29;
	[sflag:s3] =	ssyncadd.s32 $0xFFFFC400  }
0x71: {  	[hbm4b:s28+s1] =	stream.linear.scatter [tilespmem:s14], [sflag:$0x2], $0x3C00, $0x38;
	[tilespmem:$0x12D00] =	vst v63  }
0x72: {  	p0 =	sne.s32 s30, $0x1;
	_ =	swait.ge [sflag:s3], $0x3C00  }
.Ltmp0:
0x73: {  	[sflag:s3] =	ssyncset.done $0x0;
	(pc) =	sbr.rel @!p0 .LBB2_2-.Ltmp0, $4  }
0x74: {  	s29 =	sadd.s32 $0x3480, s29;
	[sflag:s3] =	ssyncadd.s32 $0xFFFFC400  }
0x75: {  	[hbm4b:s29+s1] =	stream.linear.scatter [tilespmem:s15], [sflag:$0x2], $0x3C00, $0x38;
	[tilespmem:$0x12D00] =	vst v63  }
0x76: {  	_ =	swait.ge [sflag:s3], $0x3C00  }
0x77: {  	s30 =	sadd.s32 $0xFFFFFFFF, s30;
	[sflag:s3] =	ssyncset.done $0x0  }
.LBB2_1:
0x78: {  	p0 =	sne.s32 s30, $0x1;
	s30 =	sadd.s32 $0xFFFFFFFF, s30;
	[sflag:s3] =	ssyncadd.s32 $0xFFFFC400  }
0x79: {  	[tilespmem:$0xC20] =	vst v0  }
0x7a: {  	[tilespmem:$0xC30] =	vst v0  }
0x7b: {  	[tilespmem:$0xC40] =	vst v0  }
0x7c: {  	[tilespmem:$0xC50] =	vst v0  }
0x7d: {  	[tilespmem:$0xC60] =	vst v0  }
0x7e: {  	[tilespmem:$0xC70] =	vst v0  }
0x7f: {  	[tilespmem:$0xC80] =	vst v0  }
0x80: {  	[tilespmem:$0xC00] =	vst v0  }
0x81: {  	[tilespmem:$0xCF0] =	vst v0  }
0x82: {  	[tilespmem:$0xCE0] =	vst v0  }
0x83: {  	[tilespmem:$0xCD0] =	vst v0  }
0x84: {  	[tilespmem:$0xCC0] =	vst v0  }
0x85: {  	[tilespmem:$0xCB0] =	vst v0  }
0x86: {  	[tilespmem:$0xCA0] =	vst v0  }
0x87: {  	[tilespmem:$0xC90] =	vst v0  }
0x88: {  	[tilespmem:$0xC10] =	vst v0  }
0x89: {  	[tilespmem:s1], [sflag:$0x2] =	stream.linear.gather [hbm4b:s4+s1], $0x300, $0x38;
	[tilespmem:$0x12D00] =	vst v63  }
0x8a: {  	_ =	swait.ge [sflag:s3], $0x300  }
0x8b: {  	[sflag:s3] =	ssyncset.done $0x0  }
0x8c: {  	[sflag:s3] =	ssyncadd.s32 $0xFFFFFD00  }
0x8d: {  	[tilespmem:s6], [sflag:$0x2] =	stream.linear.gather [hbm4b:s5+s1], $0x300, $0x38;
	[tilespmem:$0x12D00] =	vst v63  }
0x8e: {  	_ =	swait.ge [sflag:s3], $0x300  }
0x8f: {  	[sflag:s3] =	ssyncset.done $0x0  }
0x90: {  	[sflag:s3] =	ssyncadd.s32 $0xFFFFFD00  }
0x91: {  	[tilespmem:s8], [sflag:$0x2] =	stream.linear.gather [hbm4b:s7+s1], $0x300, $0x38;
	[tilespmem:$0x12D00] =	vst v63  }
0x92: {  	_ =	swait.ge [sflag:s3], $0x300  }
0x93: {  	[sflag:s3] =	ssyncset.done $0x0  }
0x94: {  	[sflag:s3] =	ssyncadd.s32 $0xFFFFFD00  }
0x95: {  	[tilespmem:s10], [sflag:$0x2] =	stream.linear.gather [hbm4b:s9+s1], $0x300, $0x38;
	[tilespmem:$0x12D00] =	vst v63  }
0x96: {  	_ =	swait.ge [sflag:s3], $0x300  }
0x97: {  	[sflag:s3] =	ssyncset.done $0x0  }
0x98: {  	[sflag:s3] =	ssyncadd.s32 $0xFFFFFD00  }
0x99: {  	[tilespmem:s12], [sflag:$0x1] =	stream.indirect.gather [hbm4b:s11+s6], $0x14, s1, s6, $0xb8;
	[tilespmem:$0x12D00] =	vst v63  }
0x9a: {  	_ = 	snop  }
0x9b: {  	[tilespmem:s13], [sflag:$0x1] =	stream.indirect.gather [hbm4b:s11+s6], $0x14, s6, s6, $0xb8;
	[tilespmem:$0x12D00] =	vst v63  }
0x9c: {  	_ = 	snop  }
0x9d: {  	[tilespmem:s14], [sflag:$0x1] =	stream.indirect.gather [hbm4b:s11+s6], $0x14, s8, s6, $0xb8;
	[tilespmem:$0x12D00] =	vst v63  }
0x9e: {  	_ = 	snop  }
0x9f: {  	[tilespmem:s15], [sflag:$0x1] =	stream.indirect.gather [hbm4b:s11+s6], $0x14, s10, s6, $0xb8;
	[tilespmem:$0x12D00] =	vst v63  }
0xa0: {  	_ =	swait.ge [sflag:s16], $0x3C00  }
0xa1: {  	[sflag:s16] =	ssyncset.done $0x0  }
0xa2: {  	[sflag:s16] =	ssyncadd.s32 $0xFFFFC400  }
0xa3: {  	_ =	swait.ge [sflag:s16], $0x3C00  }
0xa4: {  	[sflag:s16] =	ssyncset.done $0x0  }
0xa5: {  	[sflag:s16] =	ssyncadd.s32 $0xFFFFC400  }
0xa6: {  	_ =	swait.ge [sflag:s16], $0x3C00  }
0xa7: {  	[sflag:s16] =	ssyncset.done $0x0  }
0xa8: {  	[sflag:s16] =	ssyncadd.s32 $0xFFFFC400  }
0xa9: {  	_ =	swait.ge [sflag:s16], $0x3C00  }
0xaa: {  	[sflag:s16] =	ssyncset.done $0x0  }
0xab: {  	[sflag:s16] =	ssyncadd.s32 $0xFFFFC400  }
0xac: {  	[hbm4b:s17+s1] =	stream.linear.scatter [tilespmem:s12], [sflag:$0x2], $0x3C00, $0x38;
	[tilespmem:$0x12D00] =	vst v63  }
0xad: {  	_ =	swait.ge [sflag:s3], $0x3C00  }
0xae: {  	[sflag:s3] =	ssyncset.done $0x0  }
0xaf: {  	[sflag:s3] =	ssyncadd.s32 $0xFFFFC400  }
0xb0: {  	[hbm4b:s18+s1] =	stream.linear.scatter [tilespmem:s13], [sflag:$0x2], $0x3C00, $0x38;
	[tilespmem:$0x12D00] =	vst v63  }
0xb1: {  	_ =	swait.ge [sflag:s3], $0x3C00  }
0xb2: {  	[sflag:s3] =	ssyncset.done $0x0  }
0xb3: {  	[sflag:s3] =	ssyncadd.s32 $0xFFFFC400  }
0xb4: {  	[hbm4b:s19+s1] =	stream.linear.scatter [tilespmem:s14], [sflag:$0x2], $0x3C00, $0x38;
	[tilespmem:$0x12D00] =	vst v63  }
0xb5: {  	_ =	swait.ge [sflag:s3], $0x3C00  }
0xb6: {  	[sflag:s3] =	ssyncset.done $0x0  }
0xb7: {  	[sflag:s3] =	ssyncadd.s32 $0xFFFFC400  }
0xb8: {  	[hbm4b:s20+s1] =	stream.linear.scatter [tilespmem:s15], [sflag:$0x2], $0x3C00, $0x38;
	[tilespmem:$0x12D00] =	vst v63  }
0xb9: {  	_ =	swait.ge [sflag:s3], $0x3C00  }
0xba: {  	[sflag:s3] =	ssyncset.done $0x0  }
0xbb: {  	[sflag:s3] =	ssyncadd.s32 $0xFFFFC400  }
0xbc: {  	[tilespmem:s1], [sflag:$0x2] =	stream.linear.gather [hbm4b:s21+s1], $0x300, $0x38;
	[tilespmem:$0x12D00] =	vst v63  }
0xbd: {  	_ =	swait.ge [sflag:s3], $0x300  }
0xbe: {  	[sflag:s3] =	ssyncset.done $0x0  }
0xbf: {  	[sflag:s3] =	ssyncadd.s32 $0xFFFFFD00  }
0xc0: {  	[tilespmem:s6], [sflag:$0x2] =	stream.linear.gather [hbm4b:s22+s1], $0x300, $0x38;
	[tilespmem:$0x12D00] =	vst v63  }
0xc1: {  	_ =	swait.ge [sflag:s3], $0x300  }
0xc2: {  	[sflag:s3] =	ssyncset.done $0x0  }
0xc3: {  	[sflag:s3] =	ssyncadd.s32 $0xFFFFFD00  }
0xc4: {  	[tilespmem:s8], [sflag:$0x2] =	stream.linear.gather [hbm4b:s23+s1], $0x300, $0x38;
	[tilespmem:$0x12D00] =	vst v63  }
0xc5: {  	_ =	swait.ge [sflag:s3], $0x300  }
0xc6: {  	[sflag:s3] =	ssyncset.done $0x0  }
0xc7: {  	[sflag:s3] =	ssyncadd.s32 $0xFFFFFD00  }
0xc8: {  	[tilespmem:s10], [sflag:$0x2] =	stream.linear.gather [hbm4b:s24+s1], $0x300, $0x38;
	[tilespmem:$0x12D00] =	vst v63  }
0xc9: {  	_ =	swait.ge [sflag:s3], $0x300  }
0xca: {  	[sflag:s3] =	ssyncset.done $0x0  }
0xcb: {  	[sflag:s3] =	ssyncadd.s32 $0xFFFFFD00  }
0xcc: {  	[tilespmem:s12], [sflag:$0x1] =	stream.indirect.gather [hbm4b:s11+s6], $0x14, s1, s6, $0xb8;
	[tilespmem:$0x12D00] =	vst v63  }
0xcd: {  	_ = 	snop  }
0xce: {  	[tilespmem:s13], [sflag:$0x1] =	stream.indirect.gather [hbm4b:s11+s6], $0x14, s6, s6, $0xb8;
	[tilespmem:$0x12D00] =	vst v63  }
0xcf: {  	_ = 	snop  }
0xd0: {  	[tilespmem:s14], [sflag:$0x1] =	stream.indirect.gather [hbm4b:s11+s6], $0x14, s8, s6, $0xb8;
	[tilespmem:$0x12D00] =	vst v63  }
0xd1: {  	_ = 	snop  }
0xd2: {  	[tilespmem:s15], [sflag:$0x1] =	stream.indirect.gather [hbm4b:s11+s6], $0x14, s10, s6, $0xb8;
	[tilespmem:$0x12D00] =	vst v63  }
0xd3: {  	_ =	swait.ge [sflag:s16], $0x3C00  }
0xd4: {  	[sflag:s16] =	ssyncset.done $0x0  }
0xd5: {  	[sflag:s16] =	ssyncadd.s32 $0xFFFFC400  }
0xd6: {  	_ =	swait.ge [sflag:s16], $0x3C00  }
0xd7: {  	[sflag:s16] =	ssyncset.done $0x0  }
0xd8: {  	[sflag:s16] =	ssyncadd.s32 $0xFFFFC400  }
0xd9: {  	_ =	swait.ge [sflag:s16], $0x3C00  }
0xda: {  	[sflag:s16] =	ssyncset.done $0x0  }
0xdb: {  	[sflag:s16] =	ssyncadd.s32 $0xFFFFC400  }
0xdc: {  	_ =	swait.ge [sflag:s16], $0x3C00  }
0xdd: {  	[sflag:s16] =	ssyncset.done $0x0  }
0xde: {  	[sflag:s16] =	ssyncadd.s32 $0xFFFFC400  }
0xdf: {  	[hbm4b:s25+s1] =	stream.linear.scatter [tilespmem:s12], [sflag:$0x2], $0x3C00, $0x38;
	[tilespmem:$0x12D00] =	vst v63  }
0xe0: {  	_ =	swait.ge [sflag:s3], $0x3C00  }
0xe1: {  	[sflag:s3] =	ssyncset.done $0x0  }
0xe2: {  	[sflag:s3] =	ssyncadd.s32 $0xFFFFC400  }
0xe3: {  	[hbm4b:s26+s1] =	stream.linear.scatter [tilespmem:s13], [sflag:$0x2], $0x3C00, $0x38;
	[tilespmem:$0x12D00] =	vst v63  }
0xe4: {  	_ =	swait.ge [sflag:s3], $0x3C00  }
0xe5: {  	[sflag:s3] =	ssyncset.done $0x0  }
0xe6: {  	[sflag:s3] =	ssyncadd.s32 $0xFFFFC400  }
0xe7: {  	[hbm4b:s28+s1] =	stream.linear.scatter [tilespmem:s14], [sflag:$0x2], $0x3C00, $0x38;
	[tilespmem:$0x12D00] =	vst v63  }
0xe8: {  	_ =	swait.ge [sflag:s3], $0x3C00  }
.Ltmp1:
0xe9: {  	[sflag:s3] =	ssyncset.done $0x0;
	(pc) =	sbr.rel @p0 .LBB2_1-.Ltmp1, $4  }
0xea: {  	[sflag:s3] =	ssyncadd.s32 $0xFFFFC400  }
0xeb: {  	[hbm4b:s29+s1] =	stream.linear.scatter [tilespmem:s15], [sflag:$0x2], $0x3C00, $0x38;
	[tilespmem:$0x12D00] =	vst v63  }
0xec: {  	_ =	swait.ge [sflag:s3], $0x3C00  }
0xed: {  	[sflag:s3] =	ssyncset.done $0x0  }
.LBB2_2:
0xee: {  	[sflag:s3] =	ssyncadd.s32 $0xFFFFC400  }
0xef: {  	_ =	sfence.sel $0x180000  }
0xf0: {  	[bflag:$0x0] =	sbarrier.arrive $0xFFFF  }
0xf1: {  	p0 =	sne.s32 s2, $0x0;
	_ =	strace $0x90000047  }
0xf2: {  	s0 =	sadd.s32 @!p0 $0x100000, s0;
	[bflag:$0x2] =	sbarrier.arrive $0xFFFF  }
0xf3: {  	[sflag:s0] =	ssyncadd.tile.s32 @!p0 $0x1;
	_ =	shalt  }
.Lfunc_end2:
_tile_overlayer_lowered:
.L_overlay_start_2:
0xf4: {  	(tag) =	ssettag $0x2  }
0xf5: {  	s0 =	rddreg [dreg:$0x0];
	s2 =	stileid.u32  }
0xf6: {  	s1 =	rddreg [dreg:$0x1];
	p0 =	sne.s32 s2, $0x0  }
0xf7: {  	s3 =	rddreg [dreg:$0x2];
	[bflag:$0x3] =	sbarrier.arrive $0xFFFF;
	s2 =	simm.s32 @!p0 $0x1C02  }
0xf8: {  	[timem:s3], [sflag:s2] =	dma.local @!p0 [hbm:s0], s1  }
0xf9: {  	s0 =	simm.s32 @!p0 $0x2  }
0xfa: {  	_ =	swait.ge @!p0 [sflag:s0], s1  }
0xfb: {  	s1 =	ssub.s32 @!p0 $0x0, s1;
	[sflag:s0] =	ssyncset.done @!p0 $0x0  }
0xfc: {  	[sflag:s0] =	ssyncadd.s32 @!p0 s1  }
0xfd: {  	[bflag:$0x3] =	sbarrier.arrive $0xFFFF  }
0xfe: {  	_ =	shalt  }

</sc_bundles>
